<compile_context>
chip_gen: v7x
topology: tpu7x:2x2x1
jax: 0.10.2.dev20260603
libtpu: 0.0.44.dev20260713+nightly
codegen_flags: <defaults>
</compile_context>

<pallas_src>
import functools

import jax
import jax.numpy as jnp
import numpy as np
from jax import lax
from jax.experimental import pallas as pl
from jax.experimental.pallas import tpu as pltpu
from jax.experimental.pallas import tpu_sc as plsc

_B, _D, _L, _E = 64, 64, 1024, 1024
_N = _B * _D * _L
_NV = _B * _L

_SRANK = np.array([0, 7, 3, 5, 1, 6, 2, 4], dtype=np.int64)
_EIDX = np.arange(_E, dtype=np.int64)
_PERM = _SRANK[_EIDX & 7] * (_E // 8) + (_EIDX >> 3)

_BB = 16


def _argmin_body(z_ref, w_ref, idx_ref, loss_ref):
    w = w_ref[...]
    w2 = -2.0 * w
    wsq = jnp.sum(w * w, axis=1, keepdims=True)
    for i in range(_BB):
        z = z_ref[i]
        s2 = jax.lax.dot_general(
            w2, z, (((1,), (0,)), ((), ())), preferred_element_type=jnp.float32
        )
        zsq = jnp.sum(z * z, axis=0, keepdims=True)
        d = (zsq + wsq) + s2
        idx_ref[i] = jnp.argmin(d, axis=0).reshape(1, _L)
        loss_ref[i] = jnp.sum(jnp.min(d, axis=0)).reshape(1, 1)


_SC_CHUNK = 512
_DP = 128


def _sc_gather(table, idx_flat):
    nv = idx_flat.shape[0]
    info = plsc.get_sparse_core_info()
    nw = info.num_cores * info.num_subcores
    b_per_w = nv // nw
    n_chunks = b_per_w // _SC_CHUNK
    mesh = plsc.VectorSubcoreMesh(core_axis_name="c", subcore_axis_name="s")

    scratch = []
    for _ in range(n_chunks):
        scratch += [
            pltpu.VMEM((_SC_CHUNK,), jnp.int32),
            pltpu.VMEM((_SC_CHUNK, _DP), jnp.float32),
            pltpu.SemaphoreType.DMA,
            pltpu.SemaphoreType.DMA,
        ]

    @functools.partial(
        pl.kernel,
        mesh=mesh,
        out_type=jax.ShapeDtypeStruct((nv, _DP), jnp.float32),
        scratch_types=scratch,
    )
    def k(table_hbm, idx_hbm, out_hbm, *bufs):
        wid = lax.axis_index("s") * info.num_cores + lax.axis_index("c")
        base = wid * b_per_w
        gathers = []
        for i in range(n_chunks):
            idx_v, rows_v, gsem, _ = bufs[4 * i:4 * i + 4]
            off = base + i * _SC_CHUNK
            pltpu.sync_copy(idx_hbm.at[pl.ds(off, _SC_CHUNK)], idx_v)
            gathers.append(pltpu.async_copy(table_hbm.at[idx_v], rows_v, gsem))
        writes = []
        for i in range(n_chunks):
            _, rows_v, _, wsem = bufs[4 * i:4 * i + 4]
            off = base + i * _SC_CHUNK
            gathers[i].wait()
            writes.append(
                pltpu.async_copy(rows_v, out_hbm.at[pl.ds(off, _SC_CHUNK)], wsem)
            )
        for wcopy in writes:
            wcopy.wait()

    return k(table, idx_flat)


_TB = 8


def _transpose_body(qf_ref, out_ref):
    for i in range(_TB):
        out_ref[i] = qf_ref[i][:, :_D].T


_CHUNKS = 4
_CB = _B // _CHUNKS


def _argmin_call(zc, w_perm):
    return pl.pallas_call(
        _argmin_body,
        grid=(_CB // _BB,),
        in_specs=[
            pl.BlockSpec((_BB, _D, _L), lambda b: (b, 0, 0)),
            pl.BlockSpec((_E, _D), lambda b: (0, 0)),
        ],
        out_specs=[
            pl.BlockSpec((_BB, 1, _L), lambda b: (b, 0, 0)),
            pl.BlockSpec((_BB, 1, 1), lambda b: (b, 0, 0)),
        ],
        out_shape=[
            jax.ShapeDtypeStruct((_CB, 1, _L), jnp.int32),
            jax.ShapeDtypeStruct((_CB, 1, 1), jnp.float32),
        ],
        compiler_params=pltpu.CompilerParams(
            dimension_semantics=("parallel",),
        ),
    )(zc, w_perm)


def _transpose_call(qfc):
    return pl.pallas_call(
        _transpose_body,
        grid=(_CB // _TB,),
        in_specs=[pl.BlockSpec((_TB, _L, _DP), lambda b: (b, 0, 0))],
        out_specs=pl.BlockSpec((_TB, _D, _L), lambda b: (b, 0, 0)),
        out_shape=jax.ShapeDtypeStruct((_CB, _D, _L), jnp.float32),
        compiler_params=pltpu.CompilerParams(
            dimension_semantics=("parallel",),
        ),
    )(qfc)


@jax.jit
def kernel(z, W):
    w_perm = W[_PERM]
    w_pad = jnp.zeros((_E, _DP), jnp.float32).at[:, :_D].set(w_perm)
    qs, losses = [], []
    for c in range(_CHUNKS):
        zc = lax.slice_in_dim(z, c * _CB, (c + 1) * _CB, axis=0)
        idx_c, loss_c = _argmin_call(zc, w_perm)
        qf_c = _sc_gather(w_pad, idx_c.reshape(_CB * _L))
        qs.append(_transpose_call(qf_c.reshape(_CB, _L, _DP)))
        losses.append(loss_c)
    q = jnp.concatenate(qs, axis=0)
    vq_loss = jnp.sum(jnp.stack(losses)) / _N
    return q, vq_loss, 0.25 * vq_loss

# --- scband reference (transcript-rebuilt; emitter-appended) ---
"""Pipeline reference for scband-vector-quantizer-13013750907262 (READ-ONLY COPY).

The authoritative reference and input builder live on the scoring server;
editing this copy changes nothing except your own understanding.
"""

import jax, jax.numpy as jnp
import numpy as np

NUM_EMBEDDINGS = 1024
EMBEDDING_DIM = 64
COMMITMENT_COST = 0.25


def setup_inputs(seed: int = 0) -> dict:
    key = jax.random.key(seed)
    k1, k2 = jax.random.split(key)
    z = jax.random.normal(k1, (64, EMBEDDING_DIM, 1024), dtype=jnp.float32)
    W = jax.random.uniform(
        k2,
        (NUM_EMBEDDINGS, EMBEDDING_DIM),
        dtype=jnp.float32,
        minval=-1.0 / NUM_EMBEDDINGS,
        maxval=1.0 / NUM_EMBEDDINGS,
    )
    return {"z": z, "W": W}


def reference(z, W):
    # z: [B, D, L] -> [B, L, D]
    z_p = jnp.transpose(z, (0, 2, 1))
    z_flat = z_p.reshape(-1, EMBEDDING_DIM)
    distances = (
        jnp.sum(z_flat ** 2, axis=1, keepdims=True)
        + jnp.sum(W ** 2, axis=1)
        - 2.0 * (z_flat @ W.T)
    )
    encoding_indices = jnp.argmin(distances, axis=1)
    quantized = jnp.take(W, encoding_indices, axis=0).reshape(z_p.shape)
    quantized = jnp.transpose(quantized, (0, 2, 1))  # back to [B, D, L]
    vq_loss = jnp.mean((jax.lax.stop_gradient(quantized) - z) ** 2)
    commitment_loss = COMMITMENT_COST * jnp.mean(
        (quantized - jax.lax.stop_gradient(z)) ** 2
    )
    quantized_st = z + jax.lax.stop_gradient(quantized - z)
    return (quantized_st, vq_loss, commitment_loss)

if __name__ == "__main__":
    import jax
    _d = setup_inputs()
    print(jax.jit(kernel)(*tuple(_d.values())))

</pallas_src>

<mosaic_0001>
#map = affine_map<(d0, d1) -> (0, 0)>
#map1 = affine_map<(d0, d1) -> (0)>
module attributes {stable_mosaic.version = 14 : i64} {
  func.func @k(%arg0: i32, %arg1: i32, %arg2: memref<1024x128xf32, #tpu.memory_space<hbm>>, %arg3: memref<16384xi32, #tpu.memory_space<hbm>>, %arg4: memref<16384x128xf32, #tpu.memory_space<hbm>>, %arg5: memref<512xi32, #tpu.memory_space<vmem>>, %arg6: memref<512x128xf32, #tpu.memory_space<vmem>>, %arg7: memref<!tpu.dma_semaphore, #tpu.memory_space<semaphore_mem>>, %arg8: memref<!tpu.dma_semaphore, #tpu.memory_space<semaphore_mem>>) attributes {dimension_semantics = [#tpu.dimension_semantics<core_parallel>, #tpu.dimension_semantics<subcore_parallel>], iteration_bounds = array<i64: 2, 16>, scalar_prefetch = 0 : i64, scratch_operands = 4 : i64, tpu.core_type = #tpu.core_type<sc_vector_subcore>, window_params = [{transform_indices = #map}, {transform_indices = #map1}, {transform_indices = #map}]} {
    %mul3A = arith.constant 2 : i32
    %mul3A_0 = arith.muli %arg1, %mul3A : i32
    %add3A = arith.addi %mul3A_0, %arg0 : i32
    %mul3A_1 = arith.constant 512 : i32
    %mul3A_2 = arith.muli %add3A, %mul3A_1 : i32
    %add3A_3 = arith.constant 0 : i32
    %add3A_4 = arith.addi %mul3A_2, %add3A_3 : i32
    "tpu.region"() ({
      %run_scoped3A = tpu.sem_alloc : memref<!tpu.dma_semaphore, #tpu.memory_space<semaphore_mem>>
      %dma_start3A_19 = tpu.memref_slice %arg3[%add3A_4] : memref<16384xi32, #tpu.memory_space<hbm>> -> memref<512xi32, #tpu.memory_space<hbm>>
      %dma_start3A_20 = tpu.memref_slice %arg3[%add3A_4] : memref<16384xi32, #tpu.memory_space<hbm>> -> memref<512xi32, #tpu.memory_space<hbm>>
      tpu.enqueue_dma source(%dma_start3A_20 : memref<512xi32, #tpu.memory_space<hbm>>) target(%arg5 : memref<512xi32, #tpu.memory_space<vmem>>) target_semaphore(%run_scoped3A : memref<!tpu.dma_semaphore, #tpu.memory_space<semaphore_mem>>)
      %dma_wait3A_21 = tpu.memref_slice %arg3[%add3A_4] : memref<16384xi32, #tpu.memory_space<hbm>> -> memref<512xi32, #tpu.memory_space<hbm>>
      %dma_wait3A_22 = tpu.memref_slice %arg3[%add3A_4] : memref<16384xi32, #tpu.memory_space<hbm>> -> memref<512xi32, #tpu.memory_space<hbm>>
      tpu.wait_dma2 semaphore(%run_scoped3A : memref<!tpu.dma_semaphore, #tpu.memory_space<semaphore_mem>>) src(%dma_wait3A_22 : memref<512xi32, #tpu.memory_space<hbm>>) dst(%arg5 : memref<512xi32, #tpu.memory_space<vmem>>)
      tpu.yield
    }) : () -> ()
    %dma_start3A = arith.constant 0 : i32
    %dma_start3A_5 = arith.constant 0 : i32
    %dma_start3A_6 = tpu.memref_slice %arg2[%dma_start3A, %dma_start3A_5] : memref<1024x128xf32, #tpu.memory_space<hbm>> -> memref<1024x128xf32, #tpu.memory_space<hbm>>
    tpu.enqueue_indirect_dma source(%dma_start3A_6 : memref<1024x128xf32, #tpu.memory_space<hbm>>) target(%arg6 : memref<512x128xf32, #tpu.memory_space<vmem>>) offsets(%arg5 : memref<512xi32, #tpu.memory_space<vmem>>) semaphore(%arg7 : memref<!tpu.dma_semaphore, #tpu.memory_space<semaphore_mem>>)
    %add3A_7 = arith.constant 0 : i32
    %add3A_8 = arith.addi %mul3A_2, %add3A_7 : i32
    %dma_wait3A = arith.constant 0 : i32
    %dma_wait3A_9 = arith.constant 0 : i32
    %dma_wait3A_10 = tpu.memref_slice %arg2[%dma_wait3A, %dma_wait3A_9] : memref<1024x128xf32, #tpu.memory_space<hbm>> -> memref<1024x128xf32, #tpu.memory_space<hbm>>
    tpu.wait_indirect_dma semaphore(%arg7 : memref<!tpu.dma_semaphore, #tpu.memory_space<semaphore_mem>>) src(%dma_wait3A_10 : memref<1024x128xf32, #tpu.memory_space<hbm>>) dst(%arg6 : memref<512x128xf32, #tpu.memory_space<vmem>>)
    %dma_start3A_11 = arith.constant 0 : i32
    %dma_start3A_12 = tpu.memref_slice %arg4[%add3A_8, %dma_start3A_11] : memref<16384x128xf32, #tpu.memory_space<hbm>> -> memref<512x128xf32, #tpu.memory_space<hbm>>
    %dma_start3A_13 = arith.constant 0 : i32
    %dma_start3A_14 = tpu.memref_slice %arg4[%add3A_8, %dma_start3A_13] : memref<16384x128xf32, #tpu.memory_space<hbm>> -> memref<512x128xf32, #tpu.memory_space<hbm>>
    tpu.enqueue_dma source(%arg6 : memref<512x128xf32, #tpu.memory_space<vmem>>) target(%dma_start3A_14 : memref<512x128xf32, #tpu.memory_space<hbm>>) target_semaphore(%arg8 : memref<!tpu.dma_semaphore, #tpu.memory_space<semaphore_mem>>)
    %dma_wait3A_15 = arith.constant 0 : i32
    %dma_wait3A_16 = tpu.memref_slice %arg4[%add3A_8, %dma_wait3A_15] : memref<16384x128xf32, #tpu.memory_space<hbm>> -> memref<512x128xf32, #tpu.memory_space<hbm>>
    %dma_wait3A_17 = arith.constant 0 : i32
    %dma_wait3A_18 = tpu.memref_slice %arg4[%add3A_8, %dma_wait3A_17] : memref<16384x128xf32, #tpu.memory_space<hbm>> -> memref<512x128xf32, #tpu.memory_space<hbm>>
    tpu.wait_dma2 semaphore(%arg8 : memref<!tpu.dma_semaphore, #tpu.memory_space<semaphore_mem>>) src(%arg6 : memref<512x128xf32, #tpu.memory_space<vmem>>) dst(%dma_wait3A_18 : memref<512x128xf32, #tpu.memory_space<hbm>>)
    return
  }
}

#map = affine_map<(d0, d1) -> (0, 0)>
#map1 = affine_map<(d0, d1) -> (0)>
module attributes {stable_mosaic.version = 14 : i64} {
  func.func @k(%arg0: i32, %arg1: i32, %arg2: memref<1024x128xf32, #tpu.memory_space<hbm>>, %arg3: memref<16384xi32, #tpu.memory_space<hbm>>, %arg4: memref<16384x128xf32, #tpu.memory_space<hbm>>, %arg5: memref<512xi32, #tpu.memory_space<vmem>>, %arg6: memref<512x128xf32, #tpu.memory_space<vmem>>, %arg7: memref<!tpu.dma_semaphore, #tpu.memory_space<semaphore_mem>>, %arg8: memref<!tpu.dma_semaphore, #tpu.memory_space<semaphore_mem>>) attributes {dimension_semantics = [#tpu.dimension_semantics<core_parallel>, #tpu.dimension_semantics<subcore_parallel>], iteration_bounds = array<i64: 2, 16>, scalar_prefetch = 0 : i64, scratch_operands = 4 : i64, tpu.core_type = #tpu.core_type<sc_vector_subcore>, window_params = [{transform_indices = #map}, {transform_indices = #map1}, {transform_indices = #map}]} {
    %mul3A = arith.constant 2 : i32
    %mul3A_0 = arith.muli %arg1, %mul3A : i32
    %add3A = arith.addi %mul3A_0, %arg0 : i32
    %mul3A_1 = arith.constant 512 : i32
    %mul3A_2 = arith.muli %add3A, %mul3A_1 : i32
    %add3A_3 = arith.constant 0 : i32
    %add3A_4 = arith.addi %mul3A_2, %add3A_3 : i32
    "tpu.region"() ({
      %run_scoped3A = tpu.sem_alloc : memref<!tpu.dma_semaphore, #tpu.memory_space<semaphore_mem>>
      %dma_start3A_19 = tpu.memref_slice %arg3[%add3A_4] : memref<16384xi32, #tpu.memory_space<hbm>> -> memref<512xi32, #tpu.memory_space<hbm>>
      %dma_start3A_20 = tpu.memref_slice %arg3[%add3A_4] : memref<16384xi32, #tpu.memory_space<hbm>> -> memref<512xi32, #tpu.memory_space<hbm>>
      tpu.enqueue_dma source(%dma_start3A_20 : memref<512xi32, #tpu.memory_space<hbm>>) target(%arg5 : memref<512xi32, #tpu.memory_space<vmem>>) target_semaphore(%run_scoped3A : memref<!tpu.dma_semaphore, #tpu.memory_space<semaphore_mem>>)
      %dma_wait3A_21 = tpu.memref_slice %arg3[%add3A_4] : memref<16384xi32, #tpu.memory_space<hbm>> -> memref<512xi32, #tpu.memory_space<hbm>>
      %dma_wait3A_22 = tpu.memref_slice %arg3[%add3A_4] : memref<16384xi32, #tpu.memory_space<hbm>> -> memref<512xi32, #tpu.memory_space<hbm>>
      tpu.wait_dma2 semaphore(%run_scoped3A : memref<!tpu.dma_semaphore, #tpu.memory_space<semaphore_mem>>) src(%dma_wait3A_22 : memref<512xi32, #tpu.memory_space<hbm>>) dst(%arg5 : memref<512xi32, #tpu.memory_space<vmem>>)
      tpu.yield
    }) : () -> ()
    %dma_start3A = arith.constant 0 : i32
    %dma_start3A_5 = arith.constant 0 : i32
    %dma_start3A_6 = tpu.memref_slice %arg2[%dma_start3A, %dma_start3A_5] : memref<1024x128xf32, #tpu.memory_space<hbm>> -> memref<1024x128xf32, #tpu.memory_space<hbm>>
    tpu.enqueue_indirect_dma source(%dma_start3A_6 : memref<1024x128xf32, #tpu.memory_space<hbm>>) target(%arg6 : memref<512x128xf32, #tpu.memory_space<vmem>>) offsets(%arg5 : memref<512xi32, #tpu.memory_space<vmem>>) semaphore(%arg7 : memref<!tpu.dma_semaphore, #tpu.memory_space<semaphore_mem>>)
    %add3A_7 = arith.constant 0 : i32
    %add3A_8 = arith.addi %mul3A_2, %add3A_7 : i32
    %dma_wait3A = arith.constant 0 : i32
    %dma_wait3A_9 = arith.constant 0 : i32
    %dma_wait3A_10 = tpu.memref_slice %arg2[%dma_wait3A, %dma_wait3A_9] : memref<1024x128xf32, #tpu.memory_space<hbm>> -> memref<1024x128xf32, #tpu.memory_space<hbm>>
    tpu.wait_indirect_dma semaphore(%arg7 : memref<!tpu.dma_semaphore, #tpu.memory_space<semaphore_mem>>) src(%dma_wait3A_10 : memref<1024x128xf32, #tpu.memory_space<hbm>>) dst(%arg6 : memref<512x128xf32, #tpu.memory_space<vmem>>)
    %dma_start3A_11 = arith.constant 0 : i32
    %dma_start3A_12 = tpu.memref_slice %arg4[%add3A_8, %dma_start3A_11] : memref<16384x128xf32, #tpu.memory_space<hbm>> -> memref<512x128xf32, #tpu.memory_space<hbm>>
    %dma_start3A_13 = arith.constant 0 : i32
    %dma_start3A_14 = tpu.memref_slice %arg4[%add3A_8, %dma_start3A_13] : memref<16384x128xf32, #tpu.memory_space<hbm>> -> memref<512x128xf32, #tpu.memory_space<hbm>>
    tpu.enqueue_dma source(%arg6 : memref<512x128xf32, #tpu.memory_space<vmem>>) target(%dma_start3A_14 : memref<512x128xf32, #tpu.memory_space<hbm>>) target_semaphore(%arg8 : memref<!tpu.dma_semaphore, #tpu.memory_space<semaphore_mem>>)
    %dma_wait3A_15 = arith.constant 0 : i32
    %dma_wait3A_16 = tpu.memref_slice %arg4[%add3A_8, %dma_wait3A_15] : memref<16384x128xf32, #tpu.memory_space<hbm>> -> memref<512x128xf32, #tpu.memory_space<hbm>>
    %dma_wait3A_17 = arith.constant 0 : i32
    %dma_wait3A_18 = tpu.memref_slice %arg4[%add3A_8, %dma_wait3A_17] : memref<16384x128xf32, #tpu.memory_space<hbm>> -> memref<512x128xf32, #tpu.memory_space<hbm>>
    tpu.wait_dma2 semaphore(%arg8 : memref<!tpu.dma_semaphore, #tpu.memory_space<semaphore_mem>>) src(%arg6 : memref<512x128xf32, #tpu.memory_space<vmem>>) dst(%dma_wait3A_18 : memref<512x128xf32, #tpu.memory_space<hbm>>)
    return
  }
}

#map = affine_map<(d0, d1) -> (0, 0)>
#map1 = affine_map<(d0, d1) -> (0)>
module attributes {stable_mosaic.version = 14 : i64} {
  func.func @k(%arg0: i32, %arg1: i32, %arg2: memref<1024x128xf32, #tpu.memory_space<hbm>>, %arg3: memref<16384xi32, #tpu.memory_space<hbm>>, %arg4: memref<16384x128xf32, #tpu.memory_space<hbm>>, %arg5: memref<512xi32, #tpu.memory_space<vmem>>, %arg6: memref<512x128xf32, #tpu.memory_space<vmem>>, %arg7: memref<!tpu.dma_semaphore, #tpu.memory_space<semaphore_mem>>, %arg8: memref<!tpu.dma_semaphore, #tpu.memory_space<semaphore_mem>>) attributes {dimension_semantics = [#tpu.dimension_semantics<core_parallel>, #tpu.dimension_semantics<subcore_parallel>], iteration_bounds = array<i64: 2, 16>, scalar_prefetch = 0 : i64, scratch_operands = 4 : i64, tpu.core_type = #tpu.core_type<sc_vector_subcore>, window_params = [{transform_indices = #map}, {transform_indices = #map1}, {transform_indices = #map}]} {
    %mul3A = arith.constant 2 : i32
    %mul3A_0 = arith.muli %arg1, %mul3A : i32
    %add3A = arith.addi %mul3A_0, %arg0 : i32
    %mul3A_1 = arith.constant 512 : i32
    %mul3A_2 = arith.muli %add3A, %mul3A_1 : i32
    %add3A_3 = arith.constant 0 : i32
    %add3A_4 = arith.addi %mul3A_2, %add3A_3 : i32
    "tpu.region"() ({
      %run_scoped3A = tpu.sem_alloc : memref<!tpu.dma_semaphore, #tpu.memory_space<semaphore_mem>>
      %dma_start3A_19 = tpu.memref_slice %arg3[%add3A_4] : memref<16384xi32, #tpu.memory_space<hbm>> -> memref<512xi32, #tpu.memory_space<hbm>>
      %dma_start3A_20 = tpu.memref_slice %arg3[%add3A_4] : memref<16384xi32, #tpu.memory_space<hbm>> -> memref<512xi32, #tpu.memory_space<hbm>>
      tpu.enqueue_dma source(%dma_start3A_20 : memref<512xi32, #tpu.memory_space<hbm>>) target(%arg5 : memref<512xi32, #tpu.memory_space<vmem>>) target_semaphore(%run_scoped3A : memref<!tpu.dma_semaphore, #tpu.memory_space<semaphore_mem>>)
      %dma_wait3A_21 = tpu.memref_slice %arg3[%add3A_4] : memref<16384xi32, #tpu.memory_space<hbm>> -> memref<512xi32, #tpu.memory_space<hbm>>
      %dma_wait3A_22 = tpu.memref_slice %arg3[%add3A_4] : memref<16384xi32, #tpu.memory_space<hbm>> -> memref<512xi32, #tpu.memory_space<hbm>>
      tpu.wait_dma2 semaphore(%run_scoped3A : memref<!tpu.dma_semaphore, #tpu.memory_space<semaphore_mem>>) src(%dma_wait3A_22 : memref<512xi32, #tpu.memory_space<hbm>>) dst(%arg5 : memref<512xi32, #tpu.memory_space<vmem>>)
      tpu.yield
    }) : () -> ()
    %dma_start3A = arith.constant 0 : i32
    %dma_start3A_5 = arith.constant 0 : i32
    %dma_start3A_6 = tpu.memref_slice %arg2[%dma_start3A, %dma_start3A_5] : memref<1024x128xf32, #tpu.memory_space<hbm>> -> memref<1024x128xf32, #tpu.memory_space<hbm>>
    tpu.enqueue_indirect_dma source(%dma_start3A_6 : memref<1024x128xf32, #tpu.memory_space<hbm>>) target(%arg6 : memref<512x128xf32, #tpu.memory_space<vmem>>) offsets(%arg5 : memref<512xi32, #tpu.memory_space<vmem>>) semaphore(%arg7 : memref<!tpu.dma_semaphore, #tpu.memory_space<semaphore_mem>>)
    %add3A_7 = arith.constant 0 : i32
    %add3A_8 = arith.addi %mul3A_2, %add3A_7 : i32
    %dma_wait3A = arith.constant 0 : i32
    %dma_wait3A_9 = arith.constant 0 : i32
    %dma_wait3A_10 = tpu.memref_slice %arg2[%dma_wait3A, %dma_wait3A_9] : memref<1024x128xf32, #tpu.memory_space<hbm>> -> memref<1024x128xf32, #tpu.memory_space<hbm>>
    tpu.wait_indirect_dma semaphore(%arg7 : memref<!tpu.dma_semaphore, #tpu.memory_space<semaphore_mem>>) src(%dma_wait3A_10 : memref<1024x128xf32, #tpu.memory_space<hbm>>) dst(%arg6 : memref<512x128xf32, #tpu.memory_space<vmem>>)
    %dma_start3A_11 = arith.constant 0 : i32
    %dma_start3A_12 = tpu.memref_slice %arg4[%add3A_8, %dma_start3A_11] : memref<16384x128xf32, #tpu.memory_space<hbm>> -> memref<512x128xf32, #tpu.memory_space<hbm>>
    %dma_start3A_13 = arith.constant 0 : i32
    %dma_start3A_14 = tpu.memref_slice %arg4[%add3A_8, %dma_start3A_13] : memref<16384x128xf32, #tpu.memory_space<hbm>> -> memref<512x128xf32, #tpu.memory_space<hbm>>
    tpu.enqueue_dma source(%arg6 : memref<512x128xf32, #tpu.memory_space<vmem>>) target(%dma_start3A_14 : memref<512x128xf32, #tpu.memory_space<hbm>>) target_semaphore(%arg8 : memref<!tpu.dma_semaphore, #tpu.memory_space<semaphore_mem>>)
    %dma_wait3A_15 = arith.constant 0 : i32
    %dma_wait3A_16 = tpu.memref_slice %arg4[%add3A_8, %dma_wait3A_15] : memref<16384x128xf32, #tpu.memory_space<hbm>> -> memref<512x128xf32, #tpu.memory_space<hbm>>
    %dma_wait3A_17 = arith.constant 0 : i32
    %dma_wait3A_18 = tpu.memref_slice %arg4[%add3A_8, %dma_wait3A_17] : memref<16384x128xf32, #tpu.memory_space<hbm>> -> memref<512x128xf32, #tpu.memory_space<hbm>>
    tpu.wait_dma2 semaphore(%arg8 : memref<!tpu.dma_semaphore, #tpu.memory_space<semaphore_mem>>) src(%arg6 : memref<512x128xf32, #tpu.memory_space<vmem>>) dst(%dma_wait3A_18 : memref<512x128xf32, #tpu.memory_space<hbm>>)
    return
  }
}

#map = affine_map<(d0, d1) -> (0, 0)>
#map1 = affine_map<(d0, d1) -> (0)>
module attributes {stable_mosaic.version = 14 : i64} {
  func.func @k(%arg0: i32, %arg1: i32, %arg2: memref<1024x128xf32, #tpu.memory_space<hbm>>, %arg3: memref<16384xi32, #tpu.memory_space<hbm>>, %arg4: memref<16384x128xf32, #tpu.memory_space<hbm>>, %arg5: memref<512xi32, #tpu.memory_space<vmem>>, %arg6: memref<512x128xf32, #tpu.memory_space<vmem>>, %arg7: memref<!tpu.dma_semaphore, #tpu.memory_space<semaphore_mem>>, %arg8: memref<!tpu.dma_semaphore, #tpu.memory_space<semaphore_mem>>) attributes {dimension_semantics = [#tpu.dimension_semantics<core_parallel>, #tpu.dimension_semantics<subcore_parallel>], iteration_bounds = array<i64: 2, 16>, scalar_prefetch = 0 : i64, scratch_operands = 4 : i64, tpu.core_type = #tpu.core_type<sc_vector_subcore>, window_params = [{transform_indices = #map}, {transform_indices = #map1}, {transform_indices = #map}]} {
    %mul3A = arith.constant 2 : i32
    %mul3A_0 = arith.muli %arg1, %mul3A : i32
    %add3A = arith.addi %mul3A_0, %arg0 : i32
    %mul3A_1 = arith.constant 512 : i32
    %mul3A_2 = arith.muli %add3A, %mul3A_1 : i32
    %add3A_3 = arith.constant 0 : i32
    %add3A_4 = arith.addi %mul3A_2, %add3A_3 : i32
    "tpu.region"() ({
      %run_scoped3A = tpu.sem_alloc : memref<!tpu.dma_semaphore, #tpu.memory_space<semaphore_mem>>
      %dma_start3A_19 = tpu.memref_slice %arg3[%add3A_4] : memref<16384xi32, #tpu.memory_space<hbm>> -> memref<512xi32, #tpu.memory_space<hbm>>
      %dma_start3A_20 = tpu.memref_slice %arg3[%add3A_4] : memref<16384xi32, #tpu.memory_space<hbm>> -> memref<512xi32, #tpu.memory_space<hbm>>
      tpu.enqueue_dma source(%dma_start3A_20 : memref<512xi32, #tpu.memory_space<hbm>>) target(%arg5 : memref<512xi32, #tpu.memory_space<vmem>>) target_semaphore(%run_scoped3A : memref<!tpu.dma_semaphore, #tpu.memory_space<semaphore_mem>>)
      %dma_wait3A_21 = tpu.memref_slice %arg3[%add3A_4] : memref<16384xi32, #tpu.memory_space<hbm>> -> memref<512xi32, #tpu.memory_space<hbm>>
      %dma_wait3A_22 = tpu.memref_slice %arg3[%add3A_4] : memref<16384xi32, #tpu.memory_space<hbm>> -> memref<512xi32, #tpu.memory_space<hbm>>
      tpu.wait_dma2 semaphore(%run_scoped3A : memref<!tpu.dma_semaphore, #tpu.memory_space<semaphore_mem>>) src(%dma_wait3A_22 : memref<512xi32, #tpu.memory_space<hbm>>) dst(%arg5 : memref<512xi32, #tpu.memory_space<vmem>>)
      tpu.yield
    }) : () -> ()
    %dma_start3A = arith.constant 0 : i32
    %dma_start3A_5 = arith.constant 0 : i32
    %dma_start3A_6 = tpu.memref_slice %arg2[%dma_start3A, %dma_start3A_5] : memref<1024x128xf32, #tpu.memory_space<hbm>> -> memref<1024x128xf32, #tpu.memory_space<hbm>>
    tpu.enqueue_indirect_dma source(%dma_start3A_6 : memref<1024x128xf32, #tpu.memory_space<hbm>>) target(%arg6 : memref<512x128xf32, #tpu.memory_space<vmem>>) offsets(%arg5 : memref<512xi32, #tpu.memory_space<vmem>>) semaphore(%arg7 : memref<!tpu.dma_semaphore, #tpu.memory_space<semaphore_mem>>)
    %add3A_7 = arith.constant 0 : i32
    %add3A_8 = arith.addi %mul3A_2, %add3A_7 : i32
    %dma_wait3A = arith.constant 0 : i32
    %dma_wait3A_9 = arith.constant 0 : i32
    %dma_wait3A_10 = tpu.memref_slice %arg2[%dma_wait3A, %dma_wait3A_9] : memref<1024x128xf32, #tpu.memory_space<hbm>> -> memref<1024x128xf32, #tpu.memory_space<hbm>>
    tpu.wait_indirect_dma semaphore(%arg7 : memref<!tpu.dma_semaphore, #tpu.memory_space<semaphore_mem>>) src(%dma_wait3A_10 : memref<1024x128xf32, #tpu.memory_space<hbm>>) dst(%arg6 : memref<512x128xf32, #tpu.memory_space<vmem>>)
    %dma_start3A_11 = arith.constant 0 : i32
    %dma_start3A_12 = tpu.memref_slice %arg4[%add3A_8, %dma_start3A_11] : memref<16384x128xf32, #tpu.memory_space<hbm>> -> memref<512x128xf32, #tpu.memory_space<hbm>>
    %dma_start3A_13 = arith.constant 0 : i32
    %dma_start3A_14 = tpu.memref_slice %arg4[%add3A_8, %dma_start3A_13] : memref<16384x128xf32, #tpu.memory_space<hbm>> -> memref<512x128xf32, #tpu.memory_space<hbm>>
    tpu.enqueue_dma source(%arg6 : memref<512x128xf32, #tpu.memory_space<vmem>>) target(%dma_start3A_14 : memref<512x128xf32, #tpu.memory_space<hbm>>) target_semaphore(%arg8 : memref<!tpu.dma_semaphore, #tpu.memory_space<semaphore_mem>>)
    %dma_wait3A_15 = arith.constant 0 : i32
    %dma_wait3A_16 = tpu.memref_slice %arg4[%add3A_8, %dma_wait3A_15] : memref<16384x128xf32, #tpu.memory_space<hbm>> -> memref<512x128xf32, #tpu.memory_space<hbm>>
    %dma_wait3A_17 = arith.constant 0 : i32
    %dma_wait3A_18 = tpu.memref_slice %arg4[%add3A_8, %dma_wait3A_17] : memref<16384x128xf32, #tpu.memory_space<hbm>> -> memref<512x128xf32, #tpu.memory_space<hbm>>
    tpu.wait_dma2 semaphore(%arg8 : memref<!tpu.dma_semaphore, #tpu.memory_space<semaphore_mem>>) src(%arg6 : memref<512x128xf32, #tpu.memory_space<vmem>>) dst(%dma_wait3A_18 : memref<512x128xf32, #tpu.memory_space<hbm>>)
    return
  }
}

module attributes {stable_mosaic.version = 14 : i64} {
  func.func @_argmin_body(%arg0: i32, %arg1: memref<16x64x1024xf32, #tpu.memory_space<vmem>>, %arg2: memref<1024x64xf32, #tpu.memory_space<vmem>>, %arg3: memref<16x1x1024xi32, #tpu.memory_space<vmem>>, %arg4: memref<16x1x1xf32, #tpu.memory_space<vmem>>) attributes {dimension_semantics = [#tpu.dimension_semantics<parallel>], iteration_bounds = array<i64: 1>, scalar_prefetch = 0 : i64, scratch_operands = 0 : i64, tpu.core_type = #tpu.core_type<tc>, window_params = [{transform_indices = @transform_0, window_bounds = array<i64: 16, 64, 1024>}, {pipeline_mode = #tpu.pipeline_mode<synchronous>, transform_indices = @transform_1, window_bounds = array<i64: 1024, 64>}, {transform_indices = @transform_2, window_bounds = array<i64: 16, 1, 1024>}, {transform_indices = @transform_3, window_bounds = array<i64: 16, 1, 1>}]} {
    %get3A = arith.constant 0 : index
    %get3A_0 = arith.constant 0 : index
    %get3A_1 = vector.load %arg2[%get3A, %get3A_0] : memref<1024x64xf32, #tpu.memory_space<vmem>>, vector<1024x64xf32>
    %mul3A = arith.constant -2.000000e+00 : f32
    %mul3A_2 = vector.broadcast %mul3A : f32 to vector<1024x64xf32>
    %mul3A_3 = arith.mulf %mul3A_2, %get3A_1 : vector<1024x64xf32>
    %mul3A_4 = arith.mulf %get3A_1, %get3A_1 : vector<1024x64xf32>
    %reduce_sum3A = arith.constant dense<0.000000e+00> : vector<1024xf32>
    %reduce_sum3A_5 = vector.multi_reduction <add>, %mul3A_4, %reduce_sum3A [1] : vector<1024x64xf32> to vector<1024xf32>
    %broadcast_in_dim3A = vector.shape_cast %reduce_sum3A_5 : vector<1024xf32> to vector<1024x1xf32>
    %get3A_6 = arith.constant 0 : index
    %get3A_7 = arith.constant 0 : index
    %get3A_8 = arith.constant 0 : index
    %get3A_9 = vector.load %arg1[%get3A_6, %get3A_7, %get3A_8] : memref<16x64x1024xf32, #tpu.memory_space<vmem>>, vector<1x64x1024xf32>
    %get3A_10 = vector.shape_cast %get3A_9 : vector<1x64x1024xf32> to vector<64x1024xf32>
    %dot_general3A = arith.constant dense<0.000000e+00> : vector<1024x1024xf32>
    %dot_general3A_11 = tpu.matmul %mul3A_3, %get3A_10, %dot_general3A {dimension_numbers = #tpu.dot_dimension_numbers<[1], [0], [0], [1], [0, 0, 1, 1], [], []>, transpose_lhs_hint = false} : vector<1024x64xf32>, vector<64x1024xf32>, vector<1024x1024xf32> -> vector<1024x1024xf32>
    %mul3A_12 = arith.mulf %get3A_10, %get3A_10 : vector<64x1024xf32>
    %reduce_sum3A_13 = arith.constant dense<0.000000e+00> : vector<1024xf32>
    %reduce_sum3A_14 = vector.multi_reduction <add>, %mul3A_12, %reduce_sum3A_13 [0] : vector<64x1024xf32> to vector<1024xf32>
    %broadcast_in_dim3A_15 = vector.shape_cast %reduce_sum3A_14 : vector<1024xf32> to vector<1x1024xf32>
    %add3A = vector.broadcast %broadcast_in_dim3A_15 : vector<1x1024xf32> to vector<1024x1024xf32>
    %add3A_16 = vector.broadcast %broadcast_in_dim3A : vector<1024x1xf32> to vector<1024x1024xf32>
    %add3A_17 = arith.addf %add3A, %add3A_16 : vector<1024x1024xf32>
    %add3A_18 = arith.addf %add3A_17, %dot_general3A_11 : vector<1024x1024xf32>
    %argmin3A = tpu.reduce_index %add3A_18 {axis = 0 : i32, kind = #tpu.reduction_kind<arg_min>} : vector<1024x1024xf32> -> vector<1024xi32>
    %reshape3A = vector.shape_cast %argmin3A : vector<1024xi32> to vector<1x1024xi32>
    %swap3A = arith.constant 0 : index
    %swap3A_19 = arith.constant 0 : index
    %swap3A_20 = arith.constant 0 : index
    %swap3A_21 = vector.load %arg3[%swap3A, %swap3A_19, %swap3A_20] : memref<16x1x1024xi32, #tpu.memory_space<vmem>>, vector<1x1x1024xi32>
    %swap3A_22 = vector.shape_cast %swap3A_21 : vector<1x1x1024xi32> to vector<1x1024xi32>
    %swap3A_23 = vector.shape_cast %reshape3A : vector<1x1024xi32> to vector<1x1x1024xi32>
    tpu.vector_store %arg3[%swap3A, %swap3A_19, %swap3A_20], %swap3A_23 {strides = array<i32>} : memref<16x1x1024xi32, #tpu.memory_space<vmem>>, vector<1x1x1024xi32>,
    %reduce_min3A = arith.constant dense<0x7F800000> : vector<1024xf32>
    %reduce_min3A_24 = vector.multi_reduction <minimumf>, %add3A_18, %reduce_min3A [0] : vector<1024x1024xf32> to vector<1024xf32>
    %reduce_sum3A_25 = vector.shape_cast %reduce_min3A_24 : vector<1024xf32> to vector<1x1024xf32>
    %reduce_sum3A_26 = arith.constant dense<0.000000e+00> : vector<1xf32>
    %reduce_sum3A_27 = vector.multi_reduction <add>, %reduce_sum3A_25, %reduce_sum3A_26 [1] : vector<1x1024xf32> to vector<1xf32>
    %reduce_sum3A_28 = vector.shape_cast %reduce_sum3A_27 : vector<1xf32> to vector<1x1xf32>
    %reduce_sum3A_29 = vector.extract %reduce_sum3A_28[0, 0] : f32 from vector<1x1xf32>
    %reshape3A_30 = vector.broadcast %reduce_sum3A_29 : f32 to vector<1x1xf32>
    %swap3A_31 = arith.constant 0 : index
    %swap3A_32 = arith.constant 0 : index
    %swap3A_33 = arith.constant 0 : index
    %swap3A_34 = vector.load %arg4[%swap3A_31, %swap3A_32, %swap3A_33] : memref<16x1x1xf32, #tpu.memory_space<vmem>>, vector<1x1x1xf32>
    %swap3A_35 = vector.shape_cast %swap3A_34 : vector<1x1x1xf32> to vector<1x1xf32>
    %swap3A_36 = vector.shape_cast %reshape3A_30 : vector<1x1xf32> to vector<1x1x1xf32>
    tpu.vector_store %arg4[%swap3A_31, %swap3A_32, %swap3A_33], %swap3A_36 {strides = array<i32>} : memref<16x1x1xf32, #tpu.memory_space<vmem>>, vector<1x1x1xf32>,
    %get3A_37 = arith.constant 1 : index
    %get3A_38 = arith.constant 0 : index
    %get3A_39 = arith.constant 0 : index
    %get3A_40 = vector.load %arg1[%get3A_37, %get3A_38, %get3A_39] : memref<16x64x1024xf32, #tpu.memory_space<vmem>>, vector<1x64x1024xf32>
    %get3A_41 = vector.shape_cast %get3A_40 : vector<1x64x1024xf32> to vector<64x1024xf32>
    %dot_general3A_42 = arith.constant dense<0.000000e+00> : vector<1024x1024xf32>
    %dot_general3A_43 = tpu.matmul %mul3A_3, %get3A_41, %dot_general3A_42 {dimension_numbers = #tpu.dot_dimension_numbers<[1], [0], [0], [1], [0, 0, 1, 1], [], []>, transpose_lhs_hint = false} : vector<1024x64xf32>, vector<64x1024xf32>, vector<1024x1024xf32> -> vector<1024x1024xf32>
    %mul3A_44 = arith.mulf %get3A_41, %get3A_41 : vector<64x1024xf32>
    %reduce_sum3A_45 = arith.constant dense<0.000000e+00> : vector<1024xf32>
    %reduce_sum3A_46 = vector.multi_reduction <add>, %mul3A_44, %reduce_sum3A_45 [0] : vector<64x1024xf32> to vector<1024xf32>
    %broadcast_in_dim3A_47 = vector.shape_cast %reduce_sum3A_46 : vector<1024xf32> to vector<1x1024xf32>
    %add3A_48 = vector.broadcast %broadcast_in_dim3A_47 : vector<1x1024xf32> to vector<1024x1024xf32>
    %add3A_49 = vector.broadcast %broadcast_in_dim3A : vector<1024x1xf32> to vector<1024x1024xf32>
    %add3A_50 = arith.addf %add3A_48, %add3A_49 : vector<1024x1024xf32>
    %add3A_51 = arith.addf %add3A_50, %dot_general3A_43 : vector<1024x1024xf32>
    %argmin3A_52 = tpu.reduce_index %add3A_51 {axis = 0 : i32, kind = #tpu.reduction_kind<arg_min>} : vector<1024x1024xf32> -> vector<1024xi32>
    %reshape3A_53 = vector.shape_cast %argmin3A_52 : vector<1024xi32> to vector<1x1024xi32>
    %swap3A_54 = arith.constant 1 : index
    %swap3A_55 = arith.constant 0 : index
    %swap3A_56 = arith.constant 0 : index
    %swap3A_57 = vector.load %arg3[%swap3A_54, %swap3A_55, %swap3A_56] : memref<16x1x1024xi32, #tpu.memory_space<vmem>>, vector<1x1x1024xi32>
    %swap3A_58 = vector.shape_cast %swap3A_57 : vector<1x1x1024xi32> to vector<1x1024xi32>
    %swap3A_59 = vector.shape_cast %reshape3A_53 : vector<1x1024xi32> to vector<1x1x1024xi32>
    tpu.vector_store %arg3[%swap3A_54, %swap3A_55, %swap3A_56], %swap3A_59 {strides = array<i32>} : memref<16x1x1024xi32, #tpu.memory_space<vmem>>, vector<1x1x1024xi32>,
    %reduce_min3A_60 = arith.constant dense<0x7F800000> : vector<1024xf32>
    %reduce_min3A_61 = vector.multi_reduction <minimumf>, %add3A_51, %reduce_min3A_60 [0] : vector<1024x1024xf32> to vector<1024xf32>
    %reduce_sum3A_62 = vector.shape_cast %reduce_min3A_61 : vector<1024xf32> to vector<1x1024xf32>
    %reduce_sum3A_63 = arith.constant dense<0.000000e+00> : vector<1xf32>
    %reduce_sum3A_64 = vector.multi_reduction <add>, %reduce_sum3A_62, %reduce_sum3A_63 [1] : vector<1x1024xf32> to vector<1xf32>
    %reduce_sum3A_65 = vector.shape_cast %reduce_sum3A_64 : vector<1xf32> to vector<1x1xf32>
    %reduce_sum3A_66 = vector.extract %reduce_sum3A_65[0, 0] : f32 from vector<1x1xf32>
    %reshape3A_67 = vector.broadcast %reduce_sum3A_66 : f32 to vector<1x1xf32>
    %swap3A_68 = arith.constant 1 : index
    %swap3A_69 = arith.constant 0 : index
    %swap3A_70 = arith.constant 0 : index
    %swap3A_71 = vector.load %arg4[%swap3A_68, %swap3A_69, %swap3A_70] : memref<16x1x1xf32, #tpu.memory_space<vmem>>, vector<1x1x1xf32>
    %swap3A_72 = vector.shape_cast %swap3A_71 : vector<1x1x1xf32> to vector<1x1xf32>
    %swap3A_73 = vector.shape_cast %reshape3A_67 : vector<1x1xf32> to vector<1x1x1xf32>
    tpu.vector_store %arg4[%swap3A_68, %swap3A_69, %swap3A_70], %swap3A_73 {strides = array<i32>} : memref<16x1x1xf32, #tpu.memory_space<vmem>>, vector<1x1x1xf32>,
    %get3A_74 = arith.constant 2 : index
    %get3A_75 = arith.constant 0 : index
    %get3A_76 = arith.constant 0 : index
    %get3A_77 = vector.load %arg1[%get3A_74, %get3A_75, %get3A_76] : memref<16x64x1024xf32, #tpu.memory_space<vmem>>, vector<1x64x1024xf32>
    %get3A_78 = vector.shape_cast %get3A_77 : vector<1x64x1024xf32> to vector<64x1024xf32>
    %dot_general3A_79 = arith.constant dense<0.000000e+00> : vector<1024x1024xf32>
    %dot_general3A_80 = tpu.matmul %mul3A_3, %get3A_78, %dot_general3A_79 {dimension_numbers = #tpu.dot_dimension_numbers<[1], [0], [0], [1], [0, 0, 1, 1], [], []>, transpose_lhs_hint = false} : vector<1024x64xf32>, vector<64x1024xf32>, vector<1024x1024xf32> -> vector<1024x1024xf32>
    %mul3A_81 = arith.mulf %get3A_78, %get3A_78 : vector<64x1024xf32>
    %reduce_sum3A_82 = arith.constant dense<0.000000e+00> : vector<1024xf32>
    %reduce_sum3A_83 = vector.multi_reduction <add>, %mul3A_81, %reduce_sum3A_82 [0] : vector<64x1024xf32> to vector<1024xf32>
    %broadcast_in_dim3A_84 = vector.shape_cast %reduce_sum3A_83 : vector<1024xf32> to vector<1x1024xf32>
    %add3A_85 = vector.broadcast %broadcast_in_dim3A_84 : vector<1x1024xf32> to vector<1024x1024xf32>
    %add3A_86 = vector.broadcast %broadcast_in_dim3A : vector<1024x1xf32> to vector<1024x1024xf32>
    %add3A_87 = arith.addf %add3A_85, %add3A_86 : vector<1024x1024xf32>
    %add3A_88 = arith.addf %add3A_87, %dot_general3A_80 : vector<1024x1024xf32>
    %argmin3A_89 = tpu.reduce_index %add3A_88 {axis = 0 : i32, kind = #tpu.reduction_kind<arg_min>} : vector<1024x1024xf32> -> vector<1024xi32>
    %reshape3A_90 = vector.shape_cast %argmin3A_89 : vector<1024xi32> to vector<1x1024xi32>
    %swap3A_91 = arith.constant 2 : index
    %swap3A_92 = arith.constant 0 : index
    %swap3A_93 = arith.constant 0 : index
    %swap3A_94 = vector.load %arg3[%swap3A_91, %swap3A_92, %swap3A_93] : memref<16x1x1024xi32, #tpu.memory_space<vmem>>, vector<1x1x1024xi32>
    %swap3A_95 = vector.shape_cast %swap3A_94 : vector<1x1x1024xi32> to vector<1x1024xi32>
    %swap3A_96 = vector.shape_cast %reshape3A_90 : vector<1x1024xi32> to vector<1x1x1024xi32>
    tpu.vector_store %arg3[%swap3A_91, %swap3A_92, %swap3A_93], %swap3A_96 {strides = array<i32>} : memref<16x1x1024xi32, #tpu.memory_space<vmem>>, vector<1x1x1024xi32>,
    %reduce_min3A_97 = arith.constant dense<0x7F800000> : vector<1024xf32>
    %reduce_min3A_98 = vector.multi_reduction <minimumf>, %add3A_88, %reduce_min3A_97 [0] : vector<1024x1024xf32> to vector<1024xf32>
    %reduce_sum3A_99 = vector.shape_cast %reduce_min3A_98 : vector<1024xf32> to vector<1x1024xf32>
    %reduce_sum3A_100 = arith.constant dense<0.000000e+00> : vector<1xf32>
    %reduce_sum3A_101 = vector.multi_reduction <add>, %reduce_sum3A_99, %reduce_sum3A_100 [1] : vector<1x1024xf32> to vector<1xf32>
    %reduce_sum3A_102 = vector.shape_cast %reduce_sum3A_101 : vector<1xf32> to vector<1x1xf32>
    %reduce_sum3A_103 = vector.extract %reduce_sum3A_102[0, 0] : f32 from vector<1x1xf32>
    %reshape3A_104 = vector.broadcast %reduce_sum3A_103 : f32 to vector<1x1xf32>
    %swap3A_105 = arith.constant 2 : index
    %swap3A_106 = arith.constant 0 : index
    %swap3A_107 = arith.constant 0 : index
    %swap3A_108 = vector.load %arg4[%swap3A_105, %swap3A_106, %swap3A_107] : memref<16x1x1xf32, #tpu.memory_space<vmem>>, vector<1x1x1xf32>
    %swap3A_109 = vector.shape_cast %swap3A_108 : vector<1x1x1xf32> to vector<1x1xf32>
    %swap3A_110 = vector.shape_cast %reshape3A_104 : vector<1x1xf32> to vector<1x1x1xf32>
    tpu.vector_store %arg4[%swap3A_105, %swap3A_106, %swap3A_107], %swap3A_110 {strides = array<i32>} : memref<16x1x1xf32, #tpu.memory_space<vmem>>, vector<1x1x1xf32>,
    %get3A_111 = arith.constant 3 : index
    %get3A_112 = arith.constant 0 : index
    %get3A_113 = arith.constant 0 : index
    %get3A_114 = vector.load %arg1[%get3A_111, %get3A_112, %get3A_113] : memref<16x64x1024xf32, #tpu.memory_space<vmem>>, vector<1x64x1024xf32>
    %get3A_115 = vector.shape_cast %get3A_114 : vector<1x64x1024xf32> to vector<64x1024xf32>
    %dot_general3A_116 = arith.constant dense<0.000000e+00> : vector<1024x1024xf32>
    %dot_general3A_117 = tpu.matmul %mul3A_3, %get3A_115, %dot_general3A_116 {dimension_numbers = #tpu.dot_dimension_numbers<[1], [0], [0], [1], [0, 0, 1, 1], [], []>, transpose_lhs_hint = false} : vector<1024x64xf32>, vector<64x1024xf32>, vector<1024x1024xf32> -> vector<1024x1024xf32>
    %mul3A_118 = arith.mulf %get3A_115, %get3A_115 : vector<64x1024xf32>
    %reduce_sum3A_119 = arith.constant dense<0.000000e+00> : vector<1024xf32>
    %reduce_sum3A_120 = vector.multi_reduction <add>, %mul3A_118, %reduce_sum3A_119 [0] : vector<64x1024xf32> to vector<1024xf32>
    %broadcast_in_dim3A_121 = vector.shape_cast %reduce_sum3A_120 : vector<1024xf32> to vector<1x1024xf32>
    %add3A_122 = vector.broadcast %broadcast_in_dim3A_121 : vector<1x1024xf32> to vector<1024x1024xf32>
    %add3A_123 = vector.broadcast %broadcast_in_dim3A : vector<1024x1xf32> to vector<1024x1024xf32>
    %add3A_124 = arith.addf %add3A_122, %add3A_123 : vector<1024x1024xf32>
    %add3A_125 = arith.addf %add3A_124, %dot_general3A_117 : vector<1024x1024xf32>
    %argmin3A_126 = tpu.reduce_index %add3A_125 {axis = 0 : i32, kind = #tpu.reduction_kind<arg_min>} : vector<1024x1024xf32> -> vector<1024xi32>
    %reshape3A_127 = vector.shape_cast %argmin3A_126 : vector<1024xi32> to vector<1x1024xi32>
    %swap3A_128 = arith.constant 3 : index
    %swap3A_129 = arith.constant 0 : index
    %swap3A_130 = arith.constant 0 : index
    %swap3A_131 = vector.load %arg3[%swap3A_128, %swap3A_129, %swap3A_130] : memref<16x1x1024xi32, #tpu.memory_space<vmem>>, vector<1x1x1024xi32>
    %swap3A_132 = vector.shape_cast %swap3A_131 : vector<1x1x1024xi32> to vector<1x1024xi32>
    %swap3A_133 = vector.shape_cast %reshape3A_127 : vector<1x1024xi32> to vector<1x1x1024xi32>
    tpu.vector_store %arg3[%swap3A_128, %swap3A_129, %swap3A_130], %swap3A_133 {strides = array<i32>} : memref<16x1x1024xi32, #tpu.memory_space<vmem>>, vector<1x1x1024xi32>,
    %reduce_min3A_134 = arith.constant dense<0x7F800000> : vector<1024xf32>
    %reduce_min3A_135 = vector.multi_reduction <minimumf>, %add3A_125, %reduce_min3A_134 [0] : vector<1024x1024xf32> to vector<1024xf32>
    %reduce_sum3A_136 = vector.shape_cast %reduce_min3A_135 : vector<1024xf32> to vector<1x1024xf32>
    %reduce_sum3A_137 = arith.constant dense<0.000000e+00> : vector<1xf32>
    %reduce_sum3A_138 = vector.multi_reduction <add>, %reduce_sum3A_136, %reduce_sum3A_137 [1] : vector<1x1024xf32> to vector<1xf32>
    %reduce_sum3A_139 = vector.shape_cast %reduce_sum3A_138 : vector<1xf32> to vector<1x1xf32>
    %reduce_sum3A_140 = vector.extract %reduce_sum3A_139[0, 0] : f32 from vector<1x1xf32>
    %reshape3A_141 = vector.broadcast %reduce_sum3A_140 : f32 to vector<1x1xf32>
    %swap3A_142 = arith.constant 3 : index
    %swap3A_143 = arith.constant 0 : index
    %swap3A_144 = arith.constant 0 : index
    %swap3A_145 = vector.load %arg4[%swap3A_142, %swap3A_143, %swap3A_144] : memref<16x1x1xf32, #tpu.memory_space<vmem>>, vector<1x1x1xf32>
    %swap3A_146 = vector.shape_cast %swap3A_145 : vector<1x1x1xf32> to vector<1x1xf32>
    %swap3A_147 = vector.shape_cast %reshape3A_141 : vector<1x1xf32> to vector<1x1x1xf32>
    tpu.vector_store %arg4[%swap3A_142, %swap3A_143, %swap3A_144], %swap3A_147 {strides = array<i32>} : memref<16x1x1xf32, #tpu.memory_space<vmem>>, vector<1x1x1xf32>,
    %get3A_148 = arith.constant 4 : index
    %get3A_149 = arith.constant 0 : index
    %get3A_150 = arith.constant 0 : index
    %get3A_151 = vector.load %arg1[%get3A_148, %get3A_149, %get3A_150] : memref<16x64x1024xf32, #tpu.memory_space<vmem>>, vector<1x64x1024xf32>
    %get3A_152 = vector.shape_cast %get3A_151 : vector<1x64x1024xf32> to vector<64x1024xf32>
    %dot_general3A_153 = arith.constant dense<0.000000e+00> : vector<1024x1024xf32>
    %dot_general3A_154 = tpu.matmul %mul3A_3, %get3A_152, %dot_general3A_153 {dimension_numbers = #tpu.dot_dimension_numbers<[1], [0], [0], [1], [0, 0, 1, 1], [], []>, transpose_lhs_hint = false} : vector<1024x64xf32>, vector<64x1024xf32>, vector<1024x1024xf32> -> vector<1024x1024xf32>
    %mul3A_155 = arith.mulf %get3A_152, %get3A_152 : vector<64x1024xf32>
    %reduce_sum3A_156 = arith.constant dense<0.000000e+00> : vector<1024xf32>
    %reduce_sum3A_157 = vector.multi_reduction <add>, %mul3A_155, %reduce_sum3A_156 [0] : vector<64x1024xf32> to vector<1024xf32>
    %broadcast_in_dim3A_158 = vector.shape_cast %reduce_sum3A_157 : vector<1024xf32> to vector<1x1024xf32>
    %add3A_159 = vector.broadcast %broadcast_in_dim3A_158 : vector<1x1024xf32> to vector<1024x1024xf32>
    %add3A_160 = vector.broadcast %broadcast_in_dim3A : vector<1024x1xf32> to vector<1024x1024xf32>
    %add3A_161 = arith.addf %add3A_159, %add3A_160 : vector<1024x1024xf32>
    %add3A_162 = arith.addf %add3A_161, %dot_general3A_154 : vector<1024x1024xf32>
    %argmin3A_163 = tpu.reduce_index %add3A_162 {axis = 0 : i32, kind = #tpu.reduction_kind<arg_min>} : vector<1024x1024xf32> -> vector<1024xi32>
    %reshape3A_164 = vector.shape_cast %argmin3A_163 : vector<1024xi32> to vector<1x1024xi32>
    %swap3A_165 = arith.constant 4 : index
    %swap3A_166 = arith.constant 0 : index
    %swap3A_167 = arith.constant 0 : index
    %swap3A_168 = vector.load %arg3[%swap3A_165, %swap3A_166, %swap3A_167] : memref<16x1x1024xi32, #tpu.memory_space<vmem>>, vector<1x1x1024xi32>
    %swap3A_169 = vector.shape_cast %swap3A_168 : vector<1x1x1024xi32> to vector<1x1024xi32>
    %swap3A_170 = vector.shape_cast %reshape3A_164 : vector<1x1024xi32> to vector<1x1x1024xi32>
    tpu.vector_store %arg3[%swap3A_165, %swap3A_166, %swap3A_167], %swap3A_170 {strides = array<i32>} : memref<16x1x1024xi32, #tpu.memory_space<vmem>>, vector<1x1x1024xi32>,
    %reduce_min3A_171 = arith.constant dense<0x7F800000> : vector<1024xf32>
    %reduce_min3A_172 = vector.multi_reduction <minimumf>, %add3A_162, %reduce_min3A_171 [0] : vector<1024x1024xf32> to vector<1024xf32>
    %reduce_sum3A_173 = vector.shape_cast %reduce_min3A_172 : vector<1024xf32> to vector<1x1024xf32>
    %reduce_sum3A_174 = arith.constant dense<0.000000e+00> : vector<1xf32>
    %reduce_sum3A_175 = vector.multi_reduction <add>, %reduce_sum3A_173, %reduce_sum3A_174 [1] : vector<1x1024xf32> to vector<1xf32>
    %reduce_sum3A_176 = vector.shape_cast %reduce_sum3A_175 : vector<1xf32> to vector<1x1xf32>
    %reduce_sum3A_177 = vector.extract %reduce_sum3A_176[0, 0] : f32 from vector<1x1xf32>
    %reshape3A_178 = vector.broadcast %reduce_sum3A_177 : f32 to vector<1x1xf32>
    %swap3A_179 = arith.constant 4 : index
    %swap3A_180 = arith.constant 0 : index
    %swap3A_181 = arith.constant 0 : index
    %swap3A_182 = vector.load %arg4[%swap3A_179, %swap3A_180, %swap3A_181] : memref<16x1x1xf32, #tpu.memory_space<vmem>>, vector<1x1x1xf32>
    %swap3A_183 = vector.shape_cast %swap3A_182 : vector<1x1x1xf32> to vector<1x1xf32>
    %swap3A_184 = vector.shape_cast %reshape3A_178 : vector<1x1xf32> to vector<1x1x1xf32>
    tpu.vector_store %arg4[%swap3A_179, %swap3A_180, %swap3A_181], %swap3A_184 {strides = array<i32>} : memref<16x1x1xf32, #tpu.memory_space<vmem>>, vector<1x1x1xf32>,
    %get3A_185 = arith.constant 5 : index
    %get3A_186 = arith.constant 0 : index
    %get3A_187 = arith.constant 0 : index
    %get3A_188 = vector.load %arg1[%get3A_185, %get3A_186, %get3A_187] : memref<16x64x1024xf32, #tpu.memory_space<vmem>>, vector<1x64x1024xf32>
    %get3A_189 = vector.shape_cast %get3A_188 : vector<1x64x1024xf32> to vector<64x1024xf32>
    %dot_general3A_190 = arith.constant dense<0.000000e+00> : vector<1024x1024xf32>
    %dot_general3A_191 = tpu.matmul %mul3A_3, %get3A_189, %dot_general3A_190 {dimension_numbers = #tpu.dot_dimension_numbers<[1], [0], [0], [1], [0, 0, 1, 1], [], []>, transpose_lhs_hint = false} : vector<1024x64xf32>, vector<64x1024xf32>, vector<1024x1024xf32> -> vector<1024x1024xf32>
    %mul3A_192 = arith.mulf %get3A_189, %get3A_189 : vector<64x1024xf32>
    %reduce_sum3A_193 = arith.constant dense<0.000000e+00> : vector<1024xf32>
    %reduce_sum3A_194 = vector.multi_reduction <add>, %mul3A_192, %reduce_sum3A_193 [0] : vector<64x1024xf32> to vector<1024xf32>
    %broadcast_in_dim3A_195 = vector.shape_cast %reduce_sum3A_194 : vector<1024xf32> to vector<1x1024xf32>
    %add3A_196 = vector.broadcast %broadcast_in_dim3A_195 : vector<1x1024xf32> to vector<1024x1024xf32>
    %add3A_197 = vector.broadcast %broadcast_in_dim3A : vector<1024x1xf32> to vector<1024x1024xf32>
    %add3A_198 = arith.addf %add3A_196, %add3A_197 : vector<1024x1024xf32>
    %add3A_199 = arith.addf %add3A_198, %dot_general3A_191 : vector<1024x1024xf32>
    %argmin3A_200 = tpu.reduce_index %add3A_199 {axis = 0 : i32, kind = #tpu.reduction_kind<arg_min>} : vector<1024x1024xf32> -> vector<1024xi32>
    %reshape3A_201 = vector.shape_cast %argmin3A_200 : vector<1024xi32> to vector<1x1024xi32>
    %swap3A_202 = arith.constant 5 : index
    %swap3A_203 = arith.constant 0 : index
    %swap3A_204 = arith.constant 0 : index
    %swap3A_205 = vector.load %arg3[%swap3A_202, %swap3A_203, %swap3A_204] : memref<16x1x1024xi32, #tpu.memory_space<vmem>>, vector<1x1x1024xi32>
    %swap3A_206 = vector.shape_cast %swap3A_205 : vector<1x1x1024xi32> to vector<1x1024xi32>
    %swap3A_207 = vector.shape_cast %reshape3A_201 : vector<1x1024xi32> to vector<1x1x1024xi32>
    tpu.vector_store %arg3[%swap3A_202, %swap3A_203, %swap3A_204], %swap3A_207 {strides = array<i32>} : memref<16x1x1024xi32, #tpu.memory_space<vmem>>, vector<1x1x1024xi32>,
    %reduce_min3A_208 = arith.constant dense<0x7F800000> : vector<1024xf32>
    %reduce_min3A_209 = vector.multi_reduction <minimumf>, %add3A_199, %reduce_min3A_208 [0] : vector<1024x1024xf32> to vector<1024xf32>
    %reduce_sum3A_210 = vector.shape_cast %reduce_min3A_209 : vector<1024xf32> to vector<1x1024xf32>
    %reduce_sum3A_211 = arith.constant dense<0.000000e+00> : vector<1xf32>
    %reduce_sum3A_212 = vector.multi_reduction <add>, %reduce_sum3A_210, %reduce_sum3A_211 [1] : vector<1x1024xf32> to vector<1xf32>
    %reduce_sum3A_213 = vector.shape_cast %reduce_sum3A_212 : vector<1xf32> to vector<1x1xf32>
    %reduce_sum3A_214 = vector.extract %reduce_sum3A_213[0, 0] : f32 from vector<1x1xf32>
    %reshape3A_215 = vector.broadcast %reduce_sum3A_214 : f32 to vector<1x1xf32>
    %swap3A_216 = arith.constant 5 : index
    %swap3A_217 = arith.constant 0 : index
    %swap3A_218 = arith.constant 0 : index
    %swap3A_219 = vector.load %arg4[%swap3A_216, %swap3A_217, %swap3A_218] : memref<16x1x1xf32, #tpu.memory_space<vmem>>, vector<1x1x1xf32>
    %swap3A_220 = vector.shape_cast %swap3A_219 : vector<1x1x1xf32> to vector<1x1xf32>
    %swap3A_221 = vector.shape_cast %reshape3A_215 : vector<1x1xf32> to vector<1x1x1xf32>
    tpu.vector_store %arg4[%swap3A_216, %swap3A_217, %swap3A_218], %swap3A_221 {strides = array<i32>} : memref<16x1x1xf32, #tpu.memory_space<vmem>>, vector<1x1x1xf32>,
    %get3A_222 = arith.constant 6 : index
    %get3A_223 = arith.constant 0 : index
    %get3A_224 = arith.constant 0 : index
    %get3A_225 = vector.load %arg1[%get3A_222, %get3A_223, %get3A_224] : memref<16x64x1024xf32, #tpu.memory_space<vmem>>, vector<1x64x1024xf32>
    %get3A_226 = vector.shape_cast %get3A_225 : vector<1x64x1024xf32> to vector<64x1024xf32>
    %dot_general3A_227 = arith.constant dense<0.000000e+00> : vector<1024x1024xf32>
    %dot_general3A_228 = tpu.matmul %mul3A_3, %get3A_226, %dot_general3A_227 {dimension_numbers = #tpu.dot_dimension_numbers<[1], [0], [0], [1], [0, 0, 1, 1], [], []>, transpose_lhs_hint = false} : vector<1024x64xf32>, vector<64x1024xf32>, vector<1024x1024xf32> -> vector<1024x1024xf32>
    %mul3A_229 = arith.mulf %get3A_226, %get3A_226 : vector<64x1024xf32>
    %reduce_sum3A_230 = arith.constant dense<0.000000e+00> : vector<1024xf32>
    %reduce_sum3A_231 = vector.multi_reduction <add>, %mul3A_229, %reduce_sum3A_230 [0] : vector<64x1024xf32> to vector<1024xf32>
    %broadcast_in_dim3A_232 = vector.shape_cast %reduce_sum3A_231 : vector<1024xf32> to vector<1x1024xf32>
    %add3A_233 = vector.broadcast %broadcast_in_dim3A_232 : vector<1x1024xf32> to vector<1024x1024xf32>
    %add3A_234 = vector.broadcast %broadcast_in_dim3A : vector<1024x1xf32> to vector<1024x1024xf32>
    %add3A_235 = arith.addf %add3A_233, %add3A_234 : vector<1024x1024xf32>
    %add3A_236 = arith.addf %add3A_235, %dot_general3A_228 : vector<1024x1024xf32>
    %argmin3A_237 = tpu.reduce_index %add3A_236 {axis = 0 : i32, kind = #tpu.reduction_kind<arg_min>} : vector<1024x1024xf32> -> vector<1024xi32>
    %reshape3A_238 = vector.shape_cast %argmin3A_237 : vector<1024xi32> to vector<1x1024xi32>
    %swap3A_239 = arith.constant 6 : index
    %swap3A_240 = arith.constant 0 : index
    %swap3A_241 = arith.constant 0 : index
    %swap3A_242 = vector.load %arg3[%swap3A_239, %swap3A_240, %swap3A_241] : memref<16x1x1024xi32, #tpu.memory_space<vmem>>, vector<1x1x1024xi32>
    %swap3A_243 = vector.shape_cast %swap3A_242 : vector<1x1x1024xi32> to vector<1x1024xi32>
    %swap3A_244 = vector.shape_cast %reshape3A_238 : vector<1x1024xi32> to vector<1x1x1024xi32>
    tpu.vector_store %arg3[%swap3A_239, %swap3A_240, %swap3A_241], %swap3A_244 {strides = array<i32>} : memref<16x1x1024xi32, #tpu.memory_space<vmem>>, vector<1x1x1024xi32>,
    %reduce_min3A_245 = arith.constant dense<0x7F800000> : vector<1024xf32>
    %reduce_min3A_246 = vector.multi_reduction <minimumf>, %add3A_236, %reduce_min3A_245 [0] : vector<1024x1024xf32> to vector<1024xf32>
    %reduce_sum3A_247 = vector.shape_cast %reduce_min3A_246 : vector<1024xf32> to vector<1x1024xf32>
    %reduce_sum3A_248 = arith.constant dense<0.000000e+00> : vector<1xf32>
    %reduce_sum3A_249 = vector.multi_reduction <add>, %reduce_sum3A_247, %reduce_sum3A_248 [1] : vector<1x1024xf32> to vector<1xf32>
    %reduce_sum3A_250 = vector.shape_cast %reduce_sum3A_249 : vector<1xf32> to vector<1x1xf32>
    %reduce_sum3A_251 = vector.extract %reduce_sum3A_250[0, 0] : f32 from vector<1x1xf32>
    %reshape3A_252 = vector.broadcast %reduce_sum3A_251 : f32 to vector<1x1xf32>
    %swap3A_253 = arith.constant 6 : index
    %swap3A_254 = arith.constant 0 : index
    %swap3A_255 = arith.constant 0 : index
    %swap3A_256 = vector.load %arg4[%swap3A_253, %swap3A_254, %swap3A_255] : memref<16x1x1xf32, #tpu.memory_space<vmem>>, vector<1x1x1xf32>
    %swap3A_257 = vector.shape_cast %swap3A_256 : vector<1x1x1xf32> to vector<1x1xf32>
    %swap3A_258 = vector.shape_cast %reshape3A_252 : vector<1x1xf32> to vector<1x1x1xf32>
    tpu.vector_store %arg4[%swap3A_253, %swap3A_254, %swap3A_255], %swap3A_258 {strides = array<i32>} : memref<16x1x1xf32, #tpu.memory_space<vmem>>, vector<1x1x1xf32>,
    %get3A_259 = arith.constant 7 : index
    %get3A_260 = arith.constant 0 : index
    %get3A_261 = arith.constant 0 : index
    %get3A_262 = vector.load %arg1[%get3A_259, %get3A_260, %get3A_261] : memref<16x64x1024xf32, #tpu.memory_space<vmem>>, vector<1x64x1024xf32>
    %get3A_263 = vector.shape_cast %get3A_262 : vector<1x64x1024xf32> to vector<64x1024xf32>
    %dot_general3A_264 = arith.constant dense<0.000000e+00> : vector<1024x1024xf32>
    %dot_general3A_265 = tpu.matmul %mul3A_3, %get3A_263, %dot_general3A_264 {dimension_numbers = #tpu.dot_dimension_numbers<[1], [0], [0], [1], [0, 0, 1, 1], [], []>, transpose_lhs_hint = false} : vector<1024x64xf32>, vector<64x1024xf32>, vector<1024x1024xf32> -> vector<1024x1024xf32>
    %mul3A_266 = arith.mulf %get3A_263, %get3A_263 : vector<64x1024xf32>
    %reduce_sum3A_267 = arith.constant dense<0.000000e+00> : vector<1024xf32>
    %reduce_sum3A_268 = vector.multi_reduction <add>, %mul3A_266, %reduce_sum3A_267 [0] : vector<64x1024xf32> to vector<1024xf32>
    %broadcast_in_dim3A_269 = vector.shape_cast %reduce_sum3A_268 : vector<1024xf32> to vector<1x1024xf32>
    %add3A_270 = vector.broadcast %broadcast_in_dim3A_269 : vector<1x1024xf32> to vector<1024x1024xf32>
    %add3A_271 = vector.broadcast %broadcast_in_dim3A : vector<1024x1xf32> to vector<1024x1024xf32>
    %add3A_272 = arith.addf %add3A_270, %add3A_271 : vector<1024x1024xf32>
    %add3A_273 = arith.addf %add3A_272, %dot_general3A_265 : vector<1024x1024xf32>
    %argmin3A_274 = tpu.reduce_index %add3A_273 {axis = 0 : i32, kind = #tpu.reduction_kind<arg_min>} : vector<1024x1024xf32> -> vector<1024xi32>
    %reshape3A_275 = vector.shape_cast %argmin3A_274 : vector<1024xi32> to vector<1x1024xi32>
    %swap3A_276 = arith.constant 7 : index
    %swap3A_277 = arith.constant 0 : index
    %swap3A_278 = arith.constant 0 : index
    %swap3A_279 = vector.load %arg3[%swap3A_276, %swap3A_277, %swap3A_278] : memref<16x1x1024xi32, #tpu.memory_space<vmem>>, vector<1x1x1024xi32>
    %swap3A_280 = vector.shape_cast %swap3A_279 : vector<1x1x1024xi32> to vector<1x1024xi32>
    %swap3A_281 = vector.shape_cast %reshape3A_275 : vector<1x1024xi32> to vector<1x1x1024xi32>
    tpu.vector_store %arg3[%swap3A_276, %swap3A_277, %swap3A_278], %swap3A_281 {strides = array<i32>} : memref<16x1x1024xi32, #tpu.memory_space<vmem>>, vector<1x1x1024xi32>,
    %reduce_min3A_282 = arith.constant dense<0x7F800000> : vector<1024xf32>
    %reduce_min3A_283 = vector.multi_reduction <minimumf>, %add3A_273, %reduce_min3A_282 [0] : vector<1024x1024xf32> to vector<1024xf32>
    %reduce_sum3A_284 = vector.shape_cast %reduce_min3A_283 : vector<1024xf32> to vector<1x1024xf32>
    %reduce_sum3A_285 = arith.constant dense<0.000000e+00> : vector<1xf32>
    %reduce_sum3A_286 = vector.multi_reduction <add>, %reduce_sum3A_284, %reduce_sum3A_285 [1] : vector<1x1024xf32> to vector<1xf32>
    %reduce_sum3A_287 = vector.shape_cast %reduce_sum3A_286 : vector<1xf32> to vector<1x1xf32>
    %reduce_sum3A_288 = vector.extract %reduce_sum3A_287[0, 0] : f32 from vector<1x1xf32>
    %reshape3A_289 = vector.broadcast %reduce_sum3A_288 : f32 to vector<1x1xf32>
    %swap3A_290 = arith.constant 7 : index
    %swap3A_291 = arith.constant 0 : index
    %swap3A_292 = arith.constant 0 : index
    %swap3A_293 = vector.load %arg4[%swap3A_290, %swap3A_291, %swap3A_292] : memref<16x1x1xf32, #tpu.memory_space<vmem>>, vector<1x1x1xf32>
    %swap3A_294 = vector.shape_cast %swap3A_293 : vector<1x1x1xf32> to vector<1x1xf32>
    %swap3A_295 = vector.shape_cast %reshape3A_289 : vector<1x1xf32> to vector<1x1x1xf32>
    tpu.vector_store %arg4[%swap3A_290, %swap3A_291, %swap3A_292], %swap3A_295 {strides = array<i32>} : memref<16x1x1xf32, #tpu.memory_space<vmem>>, vector<1x1x1xf32>,
    %get3A_296 = arith.constant 8 : index
    %get3A_297 = arith.constant 0 : index
    %get3A_298 = arith.constant 0 : index
    %get3A_299 = vector.load %arg1[%get3A_296, %get3A_297, %get3A_298] : memref<16x64x1024xf32, #tpu.memory_space<vmem>>, vector<1x64x1024xf32>
    %get3A_300 = vector.shape_cast %get3A_299 : vector<1x64x1024xf32> to vector<64x1024xf32>
    %dot_general3A_301 = arith.constant dense<0.000000e+00> : vector<1024x1024xf32>
    %dot_general3A_302 = tpu.matmul %mul3A_3, %get3A_300, %dot_general3A_301 {dimension_numbers = #tpu.dot_dimension_numbers<[1], [0], [0], [1], [0, 0, 1, 1], [], []>, transpose_lhs_hint = false} : vector<1024x64xf32>, vector<64x1024xf32>, vector<1024x1024xf32> -> vector<1024x1024xf32>
    %mul3A_303 = arith.mulf %get3A_300, %get3A_300 : vector<64x1024xf32>
    %reduce_sum3A_304 = arith.constant dense<0.000000e+00> : vector<1024xf32>
    %reduce_sum3A_305 = vector.multi_reduction <add>, %mul3A_303, %reduce_sum3A_304 [0] : vector<64x1024xf32> to vector<1024xf32>
    %broadcast_in_dim3A_306 = vector.shape_cast %reduce_sum3A_305 : vector<1024xf32> to vector<1x1024xf32>
    %add3A_307 = vector.broadcast %broadcast_in_dim3A_306 : vector<1x1024xf32> to vector<1024x1024xf32>
    %add3A_308 = vector.broadcast %broadcast_in_dim3A : vector<1024x1xf32> to vector<1024x1024xf32>
    %add3A_309 = arith.addf %add3A_307, %add3A_308 : vector<1024x1024xf32>
    %add3A_310 = arith.addf %add3A_309, %dot_general3A_302 : vector<1024x1024xf32>
    %argmin3A_311 = tpu.reduce_index %add3A_310 {axis = 0 : i32, kind = #tpu.reduction_kind<arg_min>} : vector<1024x1024xf32> -> vector<1024xi32>
    %reshape3A_312 = vector.shape_cast %argmin3A_311 : vector<1024xi32> to vector<1x1024xi32>
    %swap3A_313 = arith.constant 8 : index
    %swap3A_314 = arith.constant 0 : index
    %swap3A_315 = arith.constant 0 : index
    %swap3A_316 = vector.load %arg3[%swap3A_313, %swap3A_314, %swap3A_315] : memref<16x1x1024xi32, #tpu.memory_space<vmem>>, vector<1x1x1024xi32>
    %swap3A_317 = vector.shape_cast %swap3A_316 : vector<1x1x1024xi32> to vector<1x1024xi32>
    %swap3A_318 = vector.shape_cast %reshape3A_312 : vector<1x1024xi32> to vector<1x1x1024xi32>
    tpu.vector_store %arg3[%swap3A_313, %swap3A_314, %swap3A_315], %swap3A_318 {strides = array<i32>} : memref<16x1x1024xi32, #tpu.memory_space<vmem>>, vector<1x1x1024xi32>,
    %reduce_min3A_319 = arith.constant dense<0x7F800000> : vector<1024xf32>
    %reduce_min3A_320 = vector.multi_reduction <minimumf>, %add3A_310, %reduce_min3A_319 [0] : vector<1024x1024xf32> to vector<1024xf32>
    %reduce_sum3A_321 = vector.shape_cast %reduce_min3A_320 : vector<1024xf32> to vector<1x1024xf32>
    %reduce_sum3A_322 = arith.constant dense<0.000000e+00> : vector<1xf32>
    %reduce_sum3A_323 = vector.multi_reduction <add>, %reduce_sum3A_321, %reduce_sum3A_322 [1] : vector<1x1024xf32> to vector<1xf32>
    %reduce_sum3A_324 = vector.shape_cast %reduce_sum3A_323 : vector<1xf32> to vector<1x1xf32>
    %reduce_sum3A_325 = vector.extract %reduce_sum3A_324[0, 0] : f32 from vector<1x1xf32>
    %reshape3A_326 = vector.broadcast %reduce_sum3A_325 : f32 to vector<1x1xf32>
    %swap3A_327 = arith.constant 8 : index
    %swap3A_328 = arith.constant 0 : index
    %swap3A_329 = arith.constant 0 : index
    %swap3A_330 = vector.load %arg4[%swap3A_327, %swap3A_328, %swap3A_329] : memref<16x1x1xf32, #tpu.memory_space<vmem>>, vector<1x1x1xf32>
    %swap3A_331 = vector.shape_cast %swap3A_330 : vector<1x1x1xf32> to vector<1x1xf32>
    %swap3A_332 = vector.shape_cast %reshape3A_326 : vector<1x1xf32> to vector<1x1x1xf32>
    tpu.vector_store %arg4[%swap3A_327, %swap3A_328, %swap3A_329], %swap3A_332 {strides = array<i32>} : memref<16x1x1xf32, #tpu.memory_space<vmem>>, vector<1x1x1xf32>,
    %get3A_333 = arith.constant 9 : index
    %get3A_334 = arith.constant 0 : index
    %get3A_335 = arith.constant 0 : index
    %get3A_336 = vector.load %arg1[%get3A_333, %get3A_334, %get3A_335] : memref<16x64x1024xf32, #tpu.memory_space<vmem>>, vector<1x64x1024xf32>
    %get3A_337 = vector.shape_cast %get3A_336 : vector<1x64x1024xf32> to vector<64x1024xf32>
    %dot_general3A_338 = arith.constant dense<0.000000e+00> : vector<1024x1024xf32>
    %dot_general3A_339 = tpu.matmul %mul3A_3, %get3A_337, %dot_general3A_338 {dimension_numbers = #tpu.dot_dimension_numbers<[1], [0], [0], [1], [0, 0, 1, 1], [], []>, transpose_lhs_hint = false} : vector<1024x64xf32>, vector<64x1024xf32>, vector<1024x1024xf32> -> vector<1024x1024xf32>
    %mul3A_340 = arith.mulf %get3A_337, %get3A_337 : vector<64x1024xf32>
    %reduce_sum3A_341 = arith.constant dense<0.000000e+00> : vector<1024xf32>
    %reduce_sum3A_342 = vector.multi_reduction <add>, %mul3A_340, %reduce_sum3A_341 [0] : vector<64x1024xf32> to vector<1024xf32>
    %broadcast_in_dim3A_343 = vector.shape_cast %reduce_sum3A_342 : vector<1024xf32> to vector<1x1024xf32>
    %add3A_344 = vector.broadcast %broadcast_in_dim3A_343 : vector<1x1024xf32> to vector<1024x1024xf32>
    %add3A_345 = vector.broadcast %broadcast_in_dim3A : vector<1024x1xf32> to vector<1024x1024xf32>
    %add3A_346 = arith.addf %add3A_344, %add3A_345 : vector<1024x1024xf32>
    %add3A_347 = arith.addf %add3A_346, %dot_general3A_339 : vector<1024x1024xf32>
    %argmin3A_348 = tpu.reduce_index %add3A_347 {axis = 0 : i32, kind = #tpu.reduction_kind<arg_min>} : vector<1024x1024xf32> -> vector<1024xi32>
    %reshape3A_349 = vector.shape_cast %argmin3A_348 : vector<1024xi32> to vector<1x1024xi32>
    %swap3A_350 = arith.constant 9 : index
    %swap3A_351 = arith.constant 0 : index
    %swap3A_352 = arith.constant 0 : index
    %swap3A_353 = vector.load %arg3[%swap3A_350, %swap3A_351, %swap3A_352] : memref<16x1x1024xi32, #tpu.memory_space<vmem>>, vector<1x1x1024xi32>
    %swap3A_354 = vector.shape_cast %swap3A_353 : vector<1x1x1024xi32> to vector<1x1024xi32>
    %swap3A_355 = vector.shape_cast %reshape3A_349 : vector<1x1024xi32> to vector<1x1x1024xi32>
    tpu.vector_store %arg3[%swap3A_350, %swap3A_351, %swap3A_352], %swap3A_355 {strides = array<i32>} : memref<16x1x1024xi32, #tpu.memory_space<vmem>>, vector<1x1x1024xi32>,
    %reduce_min3A_356 = arith.constant dense<0x7F800000> : vector<1024xf32>
    %reduce_min3A_357 = vector.multi_reduction <minimumf>, %add3A_347, %reduce_min3A_356 [0] : vector<1024x1024xf32> to vector<1024xf32>
    %reduce_sum3A_358 = vector.shape_cast %reduce_min3A_357 : vector<1024xf32> to vector<1x1024xf32>
    %reduce_sum3A_359 = arith.constant dense<0.000000e+00> : vector<1xf32>
    %reduce_sum3A_360 = vector.multi_reduction <add>, %reduce_sum3A_358, %reduce_sum3A_359 [1] : vector<1x1024xf32> to vector<1xf32>
    %reduce_sum3A_361 = vector.shape_cast %reduce_sum3A_360 : vector<1xf32> to vector<1x1xf32>
    %reduce_sum3A_362 = vector.extract %reduce_sum3A_361[0, 0] : f32 from vector<1x1xf32>
    %reshape3A_363 = vector.broadcast %reduce_sum3A_362 : f32 to vector<1x1xf32>
    %swap3A_364 = arith.constant 9 : index
    %swap3A_365 = arith.constant 0 : index
    %swap3A_366 = arith.constant 0 : index
    %swap3A_367 = vector.load %arg4[%swap3A_364, %swap3A_365, %swap3A_366] : memref<16x1x1xf32, #tpu.memory_space<vmem>>, vector<1x1x1xf32>
    %swap3A_368 = vector.shape_cast %swap3A_367 : vector<1x1x1xf32> to vector<1x1xf32>
    %swap3A_369 = vector.shape_cast %reshape3A_363 : vector<1x1xf32> to vector<1x1x1xf32>
    tpu.vector_store %arg4[%swap3A_364, %swap3A_365, %swap3A_366], %swap3A_369 {strides = array<i32>} : memref<16x1x1xf32, #tpu.memory_space<vmem>>, vector<1x1x1xf32>,
    %get3A_370 = arith.constant 10 : index
    %get3A_371 = arith.constant 0 : index
    %get3A_372 = arith.constant 0 : index
    %get3A_373 = vector.load %arg1[%get3A_370, %get3A_371, %get3A_372] : memref<16x64x1024xf32, #tpu.memory_space<vmem>>, vector<1x64x1024xf32>
    %get3A_374 = vector.shape_cast %get3A_373 : vector<1x64x1024xf32> to vector<64x1024xf32>
    %dot_general3A_375 = arith.constant dense<0.000000e+00> : vector<1024x1024xf32>
    %dot_general3A_376 = tpu.matmul %mul3A_3, %get3A_374, %dot_general3A_375 {dimension_numbers = #tpu.dot_dimension_numbers<[1], [0], [0], [1], [0, 0, 1, 1], [], []>, transpose_lhs_hint = false} : vector<1024x64xf32>, vector<64x1024xf32>, vector<1024x1024xf32> -> vector<1024x1024xf32>
    %mul3A_377 = arith.mulf %get3A_374, %get3A_374 : vector<64x1024xf32>
    %reduce_sum3A_378 = arith.constant dense<0.000000e+00> : vector<1024xf32>
    %reduce_sum3A_379 = vector.multi_reduction <add>, %mul3A_377, %reduce_sum3A_378 [0] : vector<64x1024xf32> to vector<1024xf32>
    %broadcast_in_dim3A_380 = vector.shape_cast %reduce_sum3A_379 : vector<1024xf32> to vector<1x1024xf32>
    %add3A_381 = vector.broadcast %broadcast_in_dim3A_380 : vector<1x1024xf32> to vector<1024x1024xf32>
    %add3A_382 = vector.broadcast %broadcast_in_dim3A : vector<1024x1xf32> to vector<1024x1024xf32>
    %add3A_383 = arith.addf %add3A_381, %add3A_382 : vector<1024x1024xf32>
    %add3A_384 = arith.addf %add3A_383, %dot_general3A_376 : vector<1024x1024xf32>
    %argmin3A_385 = tpu.reduce_index %add3A_384 {axis = 0 : i32, kind = #tpu.reduction_kind<arg_min>} : vector<1024x1024xf32> -> vector<1024xi32>
    %reshape3A_386 = vector.shape_cast %argmin3A_385 : vector<1024xi32> to vector<1x1024xi32>
    %swap3A_387 = arith.constant 10 : index
    %swap3A_388 = arith.constant 0 : index
    %swap3A_389 = arith.constant 0 : index
    %swap3A_390 = vector.load %arg3[%swap3A_387, %swap3A_388, %swap3A_389] : memref<16x1x1024xi32, #tpu.memory_space<vmem>>, vector<1x1x1024xi32>
    %swap3A_391 = vector.shape_cast %swap3A_390 : vector<1x1x1024xi32> to vector<1x1024xi32>
    %swap3A_392 = vector.shape_cast %reshape3A_386 : vector<1x1024xi32> to vector<1x1x1024xi32>
    tpu.vector_store %arg3[%swap3A_387, %swap3A_388, %swap3A_389], %swap3A_392 {strides = array<i32>} : memref<16x1x1024xi32, #tpu.memory_space<vmem>>, vector<1x1x1024xi32>,
    %reduce_min3A_393 = arith.constant dense<0x7F800000> : vector<1024xf32>
    %reduce_min3A_394 = vector.multi_reduction <minimumf>, %add3A_384, %reduce_min3A_393 [0] : vector<1024x1024xf32> to vector<1024xf32>
    %reduce_sum3A_395 = vector.shape_cast %reduce_min3A_394 : vector<1024xf32> to vector<1x1024xf32>
    %reduce_sum3A_396 = arith.constant dense<0.000000e+00> : vector<1xf32>
    %reduce_sum3A_397 = vector.multi_reduction <add>, %reduce_sum3A_395, %reduce_sum3A_396 [1] : vector<1x1024xf32> to vector<1xf32>
    %reduce_sum3A_398 = vector.shape_cast %reduce_sum3A_397 : vector<1xf32> to vector<1x1xf32>
    %reduce_sum3A_399 = vector.extract %reduce_sum3A_398[0, 0] : f32 from vector<1x1xf32>
    %reshape3A_400 = vector.broadcast %reduce_sum3A_399 : f32 to vector<1x1xf32>
    %swap3A_401 = arith.constant 10 : index
    %swap3A_402 = arith.constant 0 : index
    %swap3A_403 = arith.constant 0 : index
    %swap3A_404 = vector.load %arg4[%swap3A_401, %swap3A_402, %swap3A_403] : memref<16x1x1xf32, #tpu.memory_space<vmem>>, vector<1x1x1xf32>
    %swap3A_405 = vector.shape_cast %swap3A_404 : vector<1x1x1xf32> to vector<1x1xf32>
    %swap3A_406 = vector.shape_cast %reshape3A_400 : vector<1x1xf32> to vector<1x1x1xf32>
    tpu.vector_store %arg4[%swap3A_401, %swap3A_402, %swap3A_403], %swap3A_406 {strides = array<i32>} : memref<16x1x1xf32, #tpu.memory_space<vmem>>, vector<1x1x1xf32>,
    %get3A_407 = arith.constant 11 : index
    %get3A_408 = arith.constant 0 : index
    %get3A_409 = arith.constant 0 : index
    %get3A_410 = vector.load %arg1[%get3A_407, %get3A_408, %get3A_409] : memref<16x64x1024xf32, #tpu.memory_space<vmem>>, vector<1x64x1024xf32>
    %get3A_411 = vector.shape_cast %get3A_410 : vector<1x64x1024xf32> to vector<64x1024xf32>
    %dot_general3A_412 = arith.constant dense<0.000000e+00> : vector<1024x1024xf32>
    %dot_general3A_413 = tpu.matmul %mul3A_3, %get3A_411, %dot_general3A_412 {dimension_numbers = #tpu.dot_dimension_numbers<[1], [0], [0], [1], [0, 0, 1, 1], [], []>, transpose_lhs_hint = false} : vector<1024x64xf32>, vector<64x1024xf32>, vector<1024x1024xf32> -> vector<1024x1024xf32>
    %mul3A_414 = arith.mulf %get3A_411, %get3A_411 : vector<64x1024xf32>
    %reduce_sum3A_415 = arith.constant dense<0.000000e+00> : vector<1024xf32>
    %reduce_sum3A_416 = vector.multi_reduction <add>, %mul3A_414, %reduce_sum3A_415 [0] : vector<64x1024xf32> to vector<1024xf32>
    %broadcast_in_dim3A_417 = vector.shape_cast %reduce_sum3A_416 : vector<1024xf32> to vector<1x1024xf32>
    %add3A_418 = vector.broadcast %broadcast_in_dim3A_417 : vector<1x1024xf32> to vector<1024x1024xf32>
    %add3A_419 = vector.broadcast %broadcast_in_dim3A : vector<1024x1xf32> to vector<1024x1024xf32>
    %add3A_420 = arith.addf %add3A_418, %add3A_419 : vector<1024x1024xf32>
    %add3A_421 = arith.addf %add3A_420, %dot_general3A_413 : vector<1024x1024xf32>
    %argmin3A_422 = tpu.reduce_index %add3A_421 {axis = 0 : i32, kind = #tpu.reduction_kind<arg_min>} : vector<1024x1024xf32> -> vector<1024xi32>
    %reshape3A_423 = vector.shape_cast %argmin3A_422 : vector<1024xi32> to vector<1x1024xi32>
    %swap3A_424 = arith.constant 11 : index
    %swap3A_425 = arith.constant 0 : index
    %swap3A_426 = arith.constant 0 : index
    %swap3A_427 = vector.load %arg3[%swap3A_424, %swap3A_425, %swap3A_426] : memref<16x1x1024xi32, #tpu.memory_space<vmem>>, vector<1x1x1024xi32>
    %swap3A_428 = vector.shape_cast %swap3A_427 : vector<1x1x1024xi32> to vector<1x1024xi32>
    %swap3A_429 = vector.shape_cast %reshape3A_423 : vector<1x1024xi32> to vector<1x1x1024xi32>
    tpu.vector_store %arg3[%swap3A_424, %swap3A_425, %swap3A_426], %swap3A_429 {strides = array<i32>} : memref<16x1x1024xi32, #tpu.memory_space<vmem>>, vector<1x1x1024xi32>,
    %reduce_min3A_430 = arith.constant dense<0x7F800000> : vector<1024xf32>
    %reduce_min3A_431 = vector.multi_reduction <minimumf>, %add3A_421, %reduce_min3A_430 [0] : vector<1024x1024xf32> to vector<1024xf32>
    %reduce_sum3A_432 = vector.shape_cast %reduce_min3A_431 : vector<1024xf32> to vector<1x1024xf32>
    %reduce_sum3A_433 = arith.constant dense<0.000000e+00> : vector<1xf32>
    %reduce_sum3A_434 = vector.multi_reduction <add>, %reduce_sum3A_432, %reduce_sum3A_433 [1] : vector<1x1024xf32> to vector<1xf32>
    %reduce_sum3A_435 = vector.shape_cast %reduce_sum3A_434 : vector<1xf32> to vector<1x1xf32>
    %reduce_sum3A_436 = vector.extract %reduce_sum3A_435[0, 0] : f32 from vector<1x1xf32>
    %reshape3A_437 = vector.broadcast %reduce_sum3A_436 : f32 to vector<1x1xf32>
    %swap3A_438 = arith.constant 11 : index
    %swap3A_439 = arith.constant 0 : index
    %swap3A_440 = arith.constant 0 : index
    %swap3A_441 = vector.load %arg4[%swap3A_438, %swap3A_439, %swap3A_440] : memref<16x1x1xf32, #tpu.memory_space<vmem>>, vector<1x1x1xf32>
    %swap3A_442 = vector.shape_cast %swap3A_441 : vector<1x1x1xf32> to vector<1x1xf32>
    %swap3A_443 = vector.shape_cast %reshape3A_437 : vector<1x1xf32> to vector<1x1x1xf32>
    tpu.vector_store %arg4[%swap3A_438, %swap3A_439, %swap3A_440], %swap3A_443 {strides = array<i32>} : memref<16x1x1xf32, #tpu.memory_space<vmem>>, vector<1x1x1xf32>,
    %get3A_444 = arith.constant 12 : index
    %get3A_445 = arith.constant 0 : index
    %get3A_446 = arith.constant 0 : index
    %get3A_447 = vector.load %arg1[%get3A_444, %get3A_445, %get3A_446] : memref<16x64x1024xf32, #tpu.memory_space<vmem>>, vector<1x64x1024xf32>
    %get3A_448 = vector.shape_cast %get3A_447 : vector<1x64x1024xf32> to vector<64x1024xf32>
    %dot_general3A_449 = arith.constant dense<0.000000e+00> : vector<1024x1024xf32>
    %dot_general3A_450 = tpu.matmul %mul3A_3, %get3A_448, %dot_general3A_449 {dimension_numbers = #tpu.dot_dimension_numbers<[1], [0], [0], [1], [0, 0, 1, 1], [], []>, transpose_lhs_hint = false} : vector<1024x64xf32>, vector<64x1024xf32>, vector<1024x1024xf32> -> vector<1024x1024xf32>
    %mul3A_451 = arith.mulf %get3A_448, %get3A_448 : vector<64x1024xf32>
    %reduce_sum3A_452 = arith.constant dense<0.000000e+00> : vector<1024xf32>
    %reduce_sum3A_453 = vector.multi_reduction <add>, %mul3A_451, %reduce_sum3A_452 [0] : vector<64x1024xf32> to vector<1024xf32>
    %broadcast_in_dim3A_454 = vector.shape_cast %reduce_sum3A_453 : vector<1024xf32> to vector<1x1024xf32>
    %add3A_455 = vector.broadcast %broadcast_in_dim3A_454 : vector<1x1024xf32> to vector<1024x1024xf32>
    %add3A_456 = vector.broadcast %broadcast_in_dim3A : vector<1024x1xf32> to vector<1024x1024xf32>
    %add3A_457 = arith.addf %add3A_455, %add3A_456 : vector<1024x1024xf32>
    %add3A_458 = arith.addf %add3A_457, %dot_general3A_450 : vector<1024x1024xf32>
    %argmin3A_459 = tpu.reduce_index %add3A_458 {axis = 0 : i32, kind = #tpu.reduction_kind<arg_min>} : vector<1024x1024xf32> -> vector<1024xi32>
    %reshape3A_460 = vector.shape_cast %argmin3A_459 : vector<1024xi32> to vector<1x1024xi32>
    %swap3A_461 = arith.constant 12 : index
    %swap3A_462 = arith.constant 0 : index
    %swap3A_463 = arith.constant 0 : index
    %swap3A_464 = vector.load %arg3[%swap3A_461, %swap3A_462, %swap3A_463] : memref<16x1x1024xi32, #tpu.memory_space<vmem>>, vector<1x1x1024xi32>
    %swap3A_465 = vector.shape_cast %swap3A_464 : vector<1x1x1024xi32> to vector<1x1024xi32>
    %swap3A_466 = vector.shape_cast %reshape3A_460 : vector<1x1024xi32> to vector<1x1x1024xi32>
    tpu.vector_store %arg3[%swap3A_461, %swap3A_462, %swap3A_463], %swap3A_466 {strides = array<i32>} : memref<16x1x1024xi32, #tpu.memory_space<vmem>>, vector<1x1x1024xi32>,
    %reduce_min3A_467 = arith.constant dense<0x7F800000> : vector<1024xf32>
    %reduce_min3A_468 = vector.multi_reduction <minimumf>, %add3A_458, %reduce_min3A_467 [0] : vector<1024x1024xf32> to vector<1024xf32>
    %reduce_sum3A_469 = vector.shape_cast %reduce_min3A_468 : vector<1024xf32> to vector<1x1024xf32>
    %reduce_sum3A_470 = arith.constant dense<0.000000e+00> : vector<1xf32>
    %reduce_sum3A_471 = vector.multi_reduction <add>, %reduce_sum3A_469, %reduce_sum3A_470 [1] : vector<1x1024xf32> to vector<1xf32>
    %reduce_sum3A_472 = vector.shape_cast %reduce_sum3A_471 : vector<1xf32> to vector<1x1xf32>
    %reduce_sum3A_473 = vector.extract %reduce_sum3A_472[0, 0] : f32 from vector<1x1xf32>
    %reshape3A_474 = vector.broadcast %reduce_sum3A_473 : f32 to vector<1x1xf32>
    %swap3A_475 = arith.constant 12 : index
    %swap3A_476 = arith.constant 0 : index
    %swap3A_477 = arith.constant 0 : index
    %swap3A_478 = vector.load %arg4[%swap3A_475, %swap3A_476, %swap3A_477] : memref<16x1x1xf32, #tpu.memory_space<vmem>>, vector<1x1x1xf32>
    %swap3A_479 = vector.shape_cast %swap3A_478 : vector<1x1x1xf32> to vector<1x1xf32>
    %swap3A_480 = vector.shape_cast %reshape3A_474 : vector<1x1xf32> to vector<1x1x1xf32>
    tpu.vector_store %arg4[%swap3A_475, %swap3A_476, %swap3A_477], %swap3A_480 {strides = array<i32>} : memref<16x1x1xf32, #tpu.memory_space<vmem>>, vector<1x1x1xf32>,
    %get3A_481 = arith.constant 13 : index
    %get3A_482 = arith.constant 0 : index
    %get3A_483 = arith.constant 0 : index
    %get3A_484 = vector.load %arg1[%get3A_481, %get3A_482, %get3A_483] : memref<16x64x1024xf32, #tpu.memory_space<vmem>>, vector<1x64x1024xf32>
    %get3A_485 = vector.shape_cast %get3A_484 : vector<1x64x1024xf32> to vector<64x1024xf32>
    %dot_general3A_486 = arith.constant dense<0.000000e+00> : vector<1024x1024xf32>
    %dot_general3A_487 = tpu.matmul %mul3A_3, %get3A_485, %dot_general3A_486 {dimension_numbers = #tpu.dot_dimension_numbers<[1], [0], [0], [1], [0, 0, 1, 1], [], []>, transpose_lhs_hint = false} : vector<1024x64xf32>, vector<64x1024xf32>, vector<1024x1024xf32> -> vector<1024x1024xf32>
    %mul3A_488 = arith.mulf %get3A_485, %get3A_485 : vector<64x1024xf32>
    %reduce_sum3A_489 = arith.constant dense<0.000000e+00> : vector<1024xf32>
    %reduce_sum3A_490 = vector.multi_reduction <add>, %mul3A_488, %reduce_sum3A_489 [0] : vector<64x1024xf32> to vector<1024xf32>
    %broadcast_in_dim3A_491 = vector.shape_cast %reduce_sum3A_490 : vector<1024xf32> to vector<1x1024xf32>
    %add3A_492 = vector.broadcast %broadcast_in_dim3A_491 : vector<1x1024xf32> to vector<1024x1024xf32>
    %add3A_493 = vector.broadcast %broadcast_in_dim3A : vector<1024x1xf32> to vector<1024x1024xf32>
    %add3A_494 = arith.addf %add3A_492, %add3A_493 : vector<1024x1024xf32>
    %add3A_495 = arith.addf %add3A_494, %dot_general3A_487 : vector<1024x1024xf32>
    %argmin3A_496 = tpu.reduce_index %add3A_495 {axis = 0 : i32, kind = #tpu.reduction_kind<arg_min>} : vector<1024x1024xf32> -> vector<1024xi32>
    %reshape3A_497 = vector.shape_cast %argmin3A_496 : vector<1024xi32> to vector<1x1024xi32>
    %swap3A_498 = arith.constant 13 : index
    %swap3A_499 = arith.constant 0 : index
    %swap3A_500 = arith.constant 0 : index
    %swap3A_501 = vector.load %arg3[%swap3A_498, %swap3A_499, %swap3A_500] : memref<16x1x1024xi32, #tpu.memory_space<vmem>>, vector<1x1x1024xi32>
    %swap3A_502 = vector.shape_cast %swap3A_501 : vector<1x1x1024xi32> to vector<1x1024xi32>
    %swap3A_503 = vector.shape_cast %reshape3A_497 : vector<1x1024xi32> to vector<1x1x1024xi32>
    tpu.vector_store %arg3[%swap3A_498, %swap3A_499, %swap3A_500], %swap3A_503 {strides = array<i32>} : memref<16x1x1024xi32, #tpu.memory_space<vmem>>, vector<1x1x1024xi32>,
    %reduce_min3A_504 = arith.constant dense<0x7F800000> : vector<1024xf32>
    %reduce_min3A_505 = vector.multi_reduction <minimumf>, %add3A_495, %reduce_min3A_504 [0] : vector<1024x1024xf32> to vector<1024xf32>
    %reduce_sum3A_506 = vector.shape_cast %reduce_min3A_505 : vector<1024xf32> to vector<1x1024xf32>
    %reduce_sum3A_507 = arith.constant dense<0.000000e+00> : vector<1xf32>
    %reduce_sum3A_508 = vector.multi_reduction <add>, %reduce_sum3A_506, %reduce_sum3A_507 [1] : vector<1x1024xf32> to vector<1xf32>
    %reduce_sum3A_509 = vector.shape_cast %reduce_sum3A_508 : vector<1xf32> to vector<1x1xf32>
    %reduce_sum3A_510 = vector.extract %reduce_sum3A_509[0, 0] : f32 from vector<1x1xf32>
    %reshape3A_511 = vector.broadcast %reduce_sum3A_510 : f32 to vector<1x1xf32>
    %swap3A_512 = arith.constant 13 : index
    %swap3A_513 = arith.constant 0 : index
    %swap3A_514 = arith.constant 0 : index
    %swap3A_515 = vector.load %arg4[%swap3A_512, %swap3A_513, %swap3A_514] : memref<16x1x1xf32, #tpu.memory_space<vmem>>, vector<1x1x1xf32>
    %swap3A_516 = vector.shape_cast %swap3A_515 : vector<1x1x1xf32> to vector<1x1xf32>
    %swap3A_517 = vector.shape_cast %reshape3A_511 : vector<1x1xf32> to vector<1x1x1xf32>
    tpu.vector_store %arg4[%swap3A_512, %swap3A_513, %swap3A_514], %swap3A_517 {strides = array<i32>} : memref<16x1x1xf32, #tpu.memory_space<vmem>>, vector<1x1x1xf32>,
    %get3A_518 = arith.constant 14 : index
    %get3A_519 = arith.constant 0 : index
    %get3A_520 = arith.constant 0 : index
    %get3A_521 = vector.load %arg1[%get3A_518, %get3A_519, %get3A_520] : memref<16x64x1024xf32, #tpu.memory_space<vmem>>, vector<1x64x1024xf32>
    %get3A_522 = vector.shape_cast %get3A_521 : vector<1x64x1024xf32> to vector<64x1024xf32>
    %dot_general3A_523 = arith.constant dense<0.000000e+00> : vector<1024x1024xf32>
    %dot_general3A_524 = tpu.matmul %mul3A_3, %get3A_522, %dot_general3A_523 {dimension_numbers = #tpu.dot_dimension_numbers<[1], [0], [0], [1], [0, 0, 1, 1], [], []>, transpose_lhs_hint = false} : vector<1024x64xf32>, vector<64x1024xf32>, vector<1024x1024xf32> -> vector<1024x1024xf32>
    %mul3A_525 = arith.mulf %get3A_522, %get3A_522 : vector<64x1024xf32>
    %reduce_sum3A_526 = arith.constant dense<0.000000e+00> : vector<1024xf32>
    %reduce_sum3A_527 = vector.multi_reduction <add>, %mul3A_525, %reduce_sum3A_526 [0] : vector<64x1024xf32> to vector<1024xf32>
    %broadcast_in_dim3A_528 = vector.shape_cast %reduce_sum3A_527 : vector<1024xf32> to vector<1x1024xf32>
    %add3A_529 = vector.broadcast %broadcast_in_dim3A_528 : vector<1x1024xf32> to vector<1024x1024xf32>
    %add3A_530 = vector.broadcast %broadcast_in_dim3A : vector<1024x1xf32> to vector<1024x1024xf32>
    %add3A_531 = arith.addf %add3A_529, %add3A_530 : vector<1024x1024xf32>
    %add3A_532 = arith.addf %add3A_531, %dot_general3A_524 : vector<1024x1024xf32>
    %argmin3A_533 = tpu.reduce_index %add3A_532 {axis = 0 : i32, kind = #tpu.reduction_kind<arg_min>} : vector<1024x1024xf32> -> vector<1024xi32>
    %reshape3A_534 = vector.shape_cast %argmin3A_533 : vector<1024xi32> to vector<1x1024xi32>
    %swap3A_535 = arith.constant 14 : index
    %swap3A_536 = arith.constant 0 : index
    %swap3A_537 = arith.constant 0 : index
    %swap3A_538 = vector.load %arg3[%swap3A_535, %swap3A_536, %swap3A_537] : memref<16x1x1024xi32, #tpu.memory_space<vmem>>, vector<1x1x1024xi32>
    %swap3A_539 = vector.shape_cast %swap3A_538 : vector<1x1x1024xi32> to vector<1x1024xi32>
    %swap3A_540 = vector.shape_cast %reshape3A_534 : vector<1x1024xi32> to vector<1x1x1024xi32>
    tpu.vector_store %arg3[%swap3A_535, %swap3A_536, %swap3A_537], %swap3A_540 {strides = array<i32>} : memref<16x1x1024xi32, #tpu.memory_space<vmem>>, vector<1x1x1024xi32>,
    %reduce_min3A_541 = arith.constant dense<0x7F800000> : vector<1024xf32>
    %reduce_min3A_542 = vector.multi_reduction <minimumf>, %add3A_532, %reduce_min3A_541 [0] : vector<1024x1024xf32> to vector<1024xf32>
    %reduce_sum3A_543 = vector.shape_cast %reduce_min3A_542 : vector<1024xf32> to vector<1x1024xf32>
    %reduce_sum3A_544 = arith.constant dense<0.000000e+00> : vector<1xf32>
    %reduce_sum3A_545 = vector.multi_reduction <add>, %reduce_sum3A_543, %reduce_sum3A_544 [1] : vector<1x1024xf32> to vector<1xf32>
    %reduce_sum3A_546 = vector.shape_cast %reduce_sum3A_545 : vector<1xf32> to vector<1x1xf32>
    %reduce_sum3A_547 = vector.extract %reduce_sum3A_546[0, 0] : f32 from vector<1x1xf32>
    %reshape3A_548 = vector.broadcast %reduce_sum3A_547 : f32 to vector<1x1xf32>
    %swap3A_549 = arith.constant 14 : index
    %swap3A_550 = arith.constant 0 : index
    %swap3A_551 = arith.constant 0 : index
    %swap3A_552 = vector.load %arg4[%swap3A_549, %swap3A_550, %swap3A_551] : memref<16x1x1xf32, #tpu.memory_space<vmem>>, vector<1x1x1xf32>
    %swap3A_553 = vector.shape_cast %swap3A_552 : vector<1x1x1xf32> to vector<1x1xf32>
    %swap3A_554 = vector.shape_cast %reshape3A_548 : vector<1x1xf32> to vector<1x1x1xf32>
    tpu.vector_store %arg4[%swap3A_549, %swap3A_550, %swap3A_551], %swap3A_554 {strides = array<i32>} : memref<16x1x1xf32, #tpu.memory_space<vmem>>, vector<1x1x1xf32>,
    %get3A_555 = arith.constant 15 : index
    %get3A_556 = arith.constant 0 : index
    %get3A_557 = arith.constant 0 : index
    %get3A_558 = vector.load %arg1[%get3A_555, %get3A_556, %get3A_557] : memref<16x64x1024xf32, #tpu.memory_space<vmem>>, vector<1x64x1024xf32>
    %get3A_559 = vector.shape_cast %get3A_558 : vector<1x64x1024xf32> to vector<64x1024xf32>
    %dot_general3A_560 = arith.constant dense<0.000000e+00> : vector<1024x1024xf32>
    %dot_general3A_561 = tpu.matmul %mul3A_3, %get3A_559, %dot_general3A_560 {dimension_numbers = #tpu.dot_dimension_numbers<[1], [0], [0], [1], [0, 0, 1, 1], [], []>, transpose_lhs_hint = false} : vector<1024x64xf32>, vector<64x1024xf32>, vector<1024x1024xf32> -> vector<1024x1024xf32>
    %mul3A_562 = arith.mulf %get3A_559, %get3A_559 : vector<64x1024xf32>
    %reduce_sum3A_563 = arith.constant dense<0.000000e+00> : vector<1024xf32>
    %reduce_sum3A_564 = vector.multi_reduction <add>, %mul3A_562, %reduce_sum3A_563 [0] : vector<64x1024xf32> to vector<1024xf32>
    %broadcast_in_dim3A_565 = vector.shape_cast %reduce_sum3A_564 : vector<1024xf32> to vector<1x1024xf32>
    %add3A_566 = vector.broadcast %broadcast_in_dim3A_565 : vector<1x1024xf32> to vector<1024x1024xf32>
    %add3A_567 = vector.broadcast %broadcast_in_dim3A : vector<1024x1xf32> to vector<1024x1024xf32>
    %add3A_568 = arith.addf %add3A_566, %add3A_567 : vector<1024x1024xf32>
    %add3A_569 = arith.addf %add3A_568, %dot_general3A_561 : vector<1024x1024xf32>
    %argmin3A_570 = tpu.reduce_index %add3A_569 {axis = 0 : i32, kind = #tpu.reduction_kind<arg_min>} : vector<1024x1024xf32> -> vector<1024xi32>
    %reshape3A_571 = vector.shape_cast %argmin3A_570 : vector<1024xi32> to vector<1x1024xi32>
    %swap3A_572 = arith.constant 15 : index
    %swap3A_573 = arith.constant 0 : index
    %swap3A_574 = arith.constant 0 : index
    %swap3A_575 = vector.load %arg3[%swap3A_572, %swap3A_573, %swap3A_574] : memref<16x1x1024xi32, #tpu.memory_space<vmem>>, vector<1x1x1024xi32>
    %swap3A_576 = vector.shape_cast %swap3A_575 : vector<1x1x1024xi32> to vector<1x1024xi32>
    %swap3A_577 = vector.shape_cast %reshape3A_571 : vector<1x1024xi32> to vector<1x1x1024xi32>
    tpu.vector_store %arg3[%swap3A_572, %swap3A_573, %swap3A_574], %swap3A_577 {strides = array<i32>} : memref<16x1x1024xi32, #tpu.memory_space<vmem>>, vector<1x1x1024xi32>,
    %reduce_min3A_578 = arith.constant dense<0x7F800000> : vector<1024xf32>
    %reduce_min3A_579 = vector.multi_reduction <minimumf>, %add3A_569, %reduce_min3A_578 [0] : vector<1024x1024xf32> to vector<1024xf32>
    %reduce_sum3A_580 = vector.shape_cast %reduce_min3A_579 : vector<1024xf32> to vector<1x1024xf32>
    %reduce_sum3A_581 = arith.constant dense<0.000000e+00> : vector<1xf32>
    %reduce_sum3A_582 = vector.multi_reduction <add>, %reduce_sum3A_580, %reduce_sum3A_581 [1] : vector<1x1024xf32> to vector<1xf32>
    %reduce_sum3A_583 = vector.shape_cast %reduce_sum3A_582 : vector<1xf32> to vector<1x1xf32>
    %reduce_sum3A_584 = vector.extract %reduce_sum3A_583[0, 0] : f32 from vector<1x1xf32>
    %reshape3A_585 = vector.broadcast %reduce_sum3A_584 : f32 to vector<1x1xf32>
    %swap3A_586 = arith.constant 15 : index
    %swap3A_587 = arith.constant 0 : index
    %swap3A_588 = arith.constant 0 : index
    %swap3A_589 = vector.load %arg4[%swap3A_586, %swap3A_587, %swap3A_588] : memref<16x1x1xf32, #tpu.memory_space<vmem>>, vector<1x1x1xf32>
    %swap3A_590 = vector.shape_cast %swap3A_589 : vector<1x1x1xf32> to vector<1x1xf32>
    %swap3A_591 = vector.shape_cast %reshape3A_585 : vector<1x1xf32> to vector<1x1x1xf32>
    tpu.vector_store %arg4[%swap3A_586, %swap3A_587, %swap3A_588], %swap3A_591 {strides = array<i32>} : memref<16x1x1xf32, #tpu.memory_space<vmem>>, vector<1x1x1xf32>,
    return
  }
  func.func @transform_0(%arg0: i32) -> (i32, i32, i32) {
    %c0_i32 = arith.constant 0 : i32
    %c0_i32_0 = arith.constant 0 : i32
    %c0_i32_1 = arith.constant 0 : i32
    return %arg0, %c0_i32, %c0_i32_0 : i32, i32, i32
  }
  func.func @transform_1(%arg0: i32) -> (i32, i32) {
    %c0_i32 = arith.constant 0 : i32
    %c0_i32_0 = arith.constant 0 : i32
    %c0_i32_1 = arith.constant 0 : i32
    return %c0_i32, %c0_i32_0 : i32, i32
  }
  func.func @transform_2(%arg0: i32) -> (i32, i32, i32) {
    %c0_i32 = arith.constant 0 : i32
    %c0_i32_0 = arith.constant 0 : i32
    %c0_i32_1 = arith.constant 0 : i32
    return %arg0, %c0_i32, %c0_i32_0 : i32, i32, i32
  }
  func.func @transform_3(%arg0: i32) -> (i32, i32, i32) {
    %c0_i32 = arith.constant 0 : i32
    %c0_i32_0 = arith.constant 0 : i32
    %c0_i32_1 = arith.constant 0 : i32
    return %arg0, %c0_i32, %c0_i32_0 : i32, i32, i32
  }
}

module attributes {stable_mosaic.version = 14 : i64} {
  func.func @_transpose_body(%arg0: i32, %arg1: memref<8x1024x128xf32, #tpu.memory_space<vmem>>, %arg2: memref<8x64x1024xf32, #tpu.memory_space<vmem>>) attributes {dimension_semantics = [#tpu.dimension_semantics<parallel>], iteration_bounds = array<i64: 2>, scalar_prefetch = 0 : i64, scratch_operands = 0 : i64, tpu.core_type = #tpu.core_type<tc>, window_params = [{transform_indices = @transform_0, window_bounds = array<i64: 8, 1024, 128>}, {transform_indices = @transform_1, window_bounds = array<i64: 8, 64, 1024>}]} {
    %get3A = arith.constant 0 : index
    %get3A_0 = arith.constant 0 : index
    %get3A_1 = arith.constant 0 : index
    %get3A_2 = vector.load %arg1[%get3A, %get3A_0, %get3A_1] : memref<8x1024x128xf32, #tpu.memory_space<vmem>>, vector<1x1024x128xf32>
    %get3A_3 = vector.shape_cast %get3A_2 : vector<1x1024x128xf32> to vector<1024x128xf32>
    %slice3A = vector.extract_strided_slice %get3A_3 {offsets = [0, 0], sizes = [1024, 64], strides = [1, 1]} : vector<1024x128xf32> to vector<1024x64xf32>
    %transpose3A = tpu.transpose %slice3A, [1, 0] : vector<1024x64xf32> -> vector<64x1024xf32>
    %swap3A = arith.constant 0 : index
    %swap3A_4 = arith.constant 0 : index
    %swap3A_5 = arith.constant 0 : index
    %swap3A_6 = vector.load %arg2[%swap3A, %swap3A_4, %swap3A_5] : memref<8x64x1024xf32, #tpu.memory_space<vmem>>, vector<1x64x1024xf32>
    %swap3A_7 = vector.shape_cast %swap3A_6 : vector<1x64x1024xf32> to vector<64x1024xf32>
    %swap3A_8 = vector.shape_cast %transpose3A : vector<64x1024xf32> to vector<1x64x1024xf32>
    tpu.vector_store %arg2[%swap3A, %swap3A_4, %swap3A_5], %swap3A_8 {strides = array<i32>} : memref<8x64x1024xf32, #tpu.memory_space<vmem>>, vector<1x64x1024xf32>,
    %get3A_9 = arith.constant 1 : index
    %get3A_10 = arith.constant 0 : index
    %get3A_11 = arith.constant 0 : index
    %get3A_12 = vector.load %arg1[%get3A_9, %get3A_10, %get3A_11] : memref<8x1024x128xf32, #tpu.memory_space<vmem>>, vector<1x1024x128xf32>
    %get3A_13 = vector.shape_cast %get3A_12 : vector<1x1024x128xf32> to vector<1024x128xf32>
    %slice3A_14 = vector.extract_strided_slice %get3A_13 {offsets = [0, 0], sizes = [1024, 64], strides = [1, 1]} : vector<1024x128xf32> to vector<1024x64xf32>
    %transpose3A_15 = tpu.transpose %slice3A_14, [1, 0] : vector<1024x64xf32> -> vector<64x1024xf32>
    %swap3A_16 = arith.constant 1 : index
    %swap3A_17 = arith.constant 0 : index
    %swap3A_18 = arith.constant 0 : index
    %swap3A_19 = vector.load %arg2[%swap3A_16, %swap3A_17, %swap3A_18] : memref<8x64x1024xf32, #tpu.memory_space<vmem>>, vector<1x64x1024xf32>
    %swap3A_20 = vector.shape_cast %swap3A_19 : vector<1x64x1024xf32> to vector<64x1024xf32>
    %swap3A_21 = vector.shape_cast %transpose3A_15 : vector<64x1024xf32> to vector<1x64x1024xf32>
    tpu.vector_store %arg2[%swap3A_16, %swap3A_17, %swap3A_18], %swap3A_21 {strides = array<i32>} : memref<8x64x1024xf32, #tpu.memory_space<vmem>>, vector<1x64x1024xf32>,
    %get3A_22 = arith.constant 2 : index
    %get3A_23 = arith.constant 0 : index
    %get3A_24 = arith.constant 0 : index
    %get3A_25 = vector.load %arg1[%get3A_22, %get3A_23, %get3A_24] : memref<8x1024x128xf32, #tpu.memory_space<vmem>>, vector<1x1024x128xf32>
    %get3A_26 = vector.shape_cast %get3A_25 : vector<1x1024x128xf32> to vector<1024x128xf32>
    %slice3A_27 = vector.extract_strided_slice %get3A_26 {offsets = [0, 0], sizes = [1024, 64], strides = [1, 1]} : vector<1024x128xf32> to vector<1024x64xf32>
    %transpose3A_28 = tpu.transpose %slice3A_27, [1, 0] : vector<1024x64xf32> -> vector<64x1024xf32>
    %swap3A_29 = arith.constant 2 : index
    %swap3A_30 = arith.constant 0 : index
    %swap3A_31 = arith.constant 0 : index
    %swap3A_32 = vector.load %arg2[%swap3A_29, %swap3A_30, %swap3A_31] : memref<8x64x1024xf32, #tpu.memory_space<vmem>>, vector<1x64x1024xf32>
    %swap3A_33 = vector.shape_cast %swap3A_32 : vector<1x64x1024xf32> to vector<64x1024xf32>
    %swap3A_34 = vector.shape_cast %transpose3A_28 : vector<64x1024xf32> to vector<1x64x1024xf32>
    tpu.vector_store %arg2[%swap3A_29, %swap3A_30, %swap3A_31], %swap3A_34 {strides = array<i32>} : memref<8x64x1024xf32, #tpu.memory_space<vmem>>, vector<1x64x1024xf32>,
    %get3A_35 = arith.constant 3 : index
    %get3A_36 = arith.constant 0 : index
    %get3A_37 = arith.constant 0 : index
    %get3A_38 = vector.load %arg1[%get3A_35, %get3A_36, %get3A_37] : memref<8x1024x128xf32, #tpu.memory_space<vmem>>, vector<1x1024x128xf32>
    %get3A_39 = vector.shape_cast %get3A_38 : vector<1x1024x128xf32> to vector<1024x128xf32>
    %slice3A_40 = vector.extract_strided_slice %get3A_39 {offsets = [0, 0], sizes = [1024, 64], strides = [1, 1]} : vector<1024x128xf32> to vector<1024x64xf32>
    %transpose3A_41 = tpu.transpose %slice3A_40, [1, 0] : vector<1024x64xf32> -> vector<64x1024xf32>
    %swap3A_42 = arith.constant 3 : index
    %swap3A_43 = arith.constant 0 : index
    %swap3A_44 = arith.constant 0 : index
    %swap3A_45 = vector.load %arg2[%swap3A_42, %swap3A_43, %swap3A_44] : memref<8x64x1024xf32, #tpu.memory_space<vmem>>, vector<1x64x1024xf32>
    %swap3A_46 = vector.shape_cast %swap3A_45 : vector<1x64x1024xf32> to vector<64x1024xf32>
    %swap3A_47 = vector.shape_cast %transpose3A_41 : vector<64x1024xf32> to vector<1x64x1024xf32>
    tpu.vector_store %arg2[%swap3A_42, %swap3A_43, %swap3A_44], %swap3A_47 {strides = array<i32>} : memref<8x64x1024xf32, #tpu.memory_space<vmem>>, vector<1x64x1024xf32>,
    %get3A_48 = arith.constant 4 : index
    %get3A_49 = arith.constant 0 : index
    %get3A_50 = arith.constant 0 : index
    %get3A_51 = vector.load %arg1[%get3A_48, %get3A_49, %get3A_50] : memref<8x1024x128xf32, #tpu.memory_space<vmem>>, vector<1x1024x128xf32>
    %get3A_52 = vector.shape_cast %get3A_51 : vector<1x1024x128xf32> to vector<1024x128xf32>
    %slice3A_53 = vector.extract_strided_slice %get3A_52 {offsets = [0, 0], sizes = [1024, 64], strides = [1, 1]} : vector<1024x128xf32> to vector<1024x64xf32>
    %transpose3A_54 = tpu.transpose %slice3A_53, [1, 0] : vector<1024x64xf32> -> vector<64x1024xf32>
    %swap3A_55 = arith.constant 4 : index
    %swap3A_56 = arith.constant 0 : index
    %swap3A_57 = arith.constant 0 : index
    %swap3A_58 = vector.load %arg2[%swap3A_55, %swap3A_56, %swap3A_57] : memref<8x64x1024xf32, #tpu.memory_space<vmem>>, vector<1x64x1024xf32>
    %swap3A_59 = vector.shape_cast %swap3A_58 : vector<1x64x1024xf32> to vector<64x1024xf32>
    %swap3A_60 = vector.shape_cast %transpose3A_54 : vector<64x1024xf32> to vector<1x64x1024xf32>
    tpu.vector_store %arg2[%swap3A_55, %swap3A_56, %swap3A_57], %swap3A_60 {strides = array<i32>} : memref<8x64x1024xf32, #tpu.memory_space<vmem>>, vector<1x64x1024xf32>,
    %get3A_61 = arith.constant 5 : index
    %get3A_62 = arith.constant 0 : index
    %get3A_63 = arith.constant 0 : index
    %get3A_64 = vector.load %arg1[%get3A_61, %get3A_62, %get3A_63] : memref<8x1024x128xf32, #tpu.memory_space<vmem>>, vector<1x1024x128xf32>
    %get3A_65 = vector.shape_cast %get3A_64 : vector<1x1024x128xf32> to vector<1024x128xf32>
    %slice3A_66 = vector.extract_strided_slice %get3A_65 {offsets = [0, 0], sizes = [1024, 64], strides = [1, 1]} : vector<1024x128xf32> to vector<1024x64xf32>
    %transpose3A_67 = tpu.transpose %slice3A_66, [1, 0] : vector<1024x64xf32> -> vector<64x1024xf32>
    %swap3A_68 = arith.constant 5 : index
    %swap3A_69 = arith.constant 0 : index
    %swap3A_70 = arith.constant 0 : index
    %swap3A_71 = vector.load %arg2[%swap3A_68, %swap3A_69, %swap3A_70] : memref<8x64x1024xf32, #tpu.memory_space<vmem>>, vector<1x64x1024xf32>
    %swap3A_72 = vector.shape_cast %swap3A_71 : vector<1x64x1024xf32> to vector<64x1024xf32>
    %swap3A_73 = vector.shape_cast %transpose3A_67 : vector<64x1024xf32> to vector<1x64x1024xf32>
    tpu.vector_store %arg2[%swap3A_68, %swap3A_69, %swap3A_70], %swap3A_73 {strides = array<i32>} : memref<8x64x1024xf32, #tpu.memory_space<vmem>>, vector<1x64x1024xf32>,
    %get3A_74 = arith.constant 6 : index
    %get3A_75 = arith.constant 0 : index
    %get3A_76 = arith.constant 0 : index
    %get3A_77 = vector.load %arg1[%get3A_74, %get3A_75, %get3A_76] : memref<8x1024x128xf32, #tpu.memory_space<vmem>>, vector<1x1024x128xf32>
    %get3A_78 = vector.shape_cast %get3A_77 : vector<1x1024x128xf32> to vector<1024x128xf32>
    %slice3A_79 = vector.extract_strided_slice %get3A_78 {offsets = [0, 0], sizes = [1024, 64], strides = [1, 1]} : vector<1024x128xf32> to vector<1024x64xf32>
    %transpose3A_80 = tpu.transpose %slice3A_79, [1, 0] : vector<1024x64xf32> -> vector<64x1024xf32>
    %swap3A_81 = arith.constant 6 : index
    %swap3A_82 = arith.constant 0 : index
    %swap3A_83 = arith.constant 0 : index
    %swap3A_84 = vector.load %arg2[%swap3A_81, %swap3A_82, %swap3A_83] : memref<8x64x1024xf32, #tpu.memory_space<vmem>>, vector<1x64x1024xf32>
    %swap3A_85 = vector.shape_cast %swap3A_84 : vector<1x64x1024xf32> to vector<64x1024xf32>
    %swap3A_86 = vector.shape_cast %transpose3A_80 : vector<64x1024xf32> to vector<1x64x1024xf32>
    tpu.vector_store %arg2[%swap3A_81, %swap3A_82, %swap3A_83], %swap3A_86 {strides = array<i32>} : memref<8x64x1024xf32, #tpu.memory_space<vmem>>, vector<1x64x1024xf32>,
    %get3A_87 = arith.constant 7 : index
    %get3A_88 = arith.constant 0 : index
    %get3A_89 = arith.constant 0 : index
    %get3A_90 = vector.load %arg1[%get3A_87, %get3A_88, %get3A_89] : memref<8x1024x128xf32, #tpu.memory_space<vmem>>, vector<1x1024x128xf32>
    %get3A_91 = vector.shape_cast %get3A_90 : vector<1x1024x128xf32> to vector<1024x128xf32>
    %slice3A_92 = vector.extract_strided_slice %get3A_91 {offsets = [0, 0], sizes = [1024, 64], strides = [1, 1]} : vector<1024x128xf32> to vector<1024x64xf32>
    %transpose3A_93 = tpu.transpose %slice3A_92, [1, 0] : vector<1024x64xf32> -> vector<64x1024xf32>
    %swap3A_94 = arith.constant 7 : index
    %swap3A_95 = arith.constant 0 : index
    %swap3A_96 = arith.constant 0 : index
    %swap3A_97 = vector.load %arg2[%swap3A_94, %swap3A_95, %swap3A_96] : memref<8x64x1024xf32, #tpu.memory_space<vmem>>, vector<1x64x1024xf32>
    %swap3A_98 = vector.shape_cast %swap3A_97 : vector<1x64x1024xf32> to vector<64x1024xf32>
    %swap3A_99 = vector.shape_cast %transpose3A_93 : vector<64x1024xf32> to vector<1x64x1024xf32>
    tpu.vector_store %arg2[%swap3A_94, %swap3A_95, %swap3A_96], %swap3A_99 {strides = array<i32>} : memref<8x64x1024xf32, #tpu.memory_space<vmem>>, vector<1x64x1024xf32>,
    return
  }
  func.func @transform_0(%arg0: i32) -> (i32, i32, i32) {
    %c0_i32 = arith.constant 0 : i32
    %c0_i32_0 = arith.constant 0 : i32
    %c0_i32_1 = arith.constant 0 : i32
    return %arg0, %c0_i32, %c0_i32_0 : i32, i32, i32
  }
  func.func @transform_1(%arg0: i32) -> (i32, i32, i32) {
    %c0_i32 = arith.constant 0 : i32
    %c0_i32_0 = arith.constant 0 : i32
    %c0_i32_1 = arith.constant 0 : i32
    return %arg0, %c0_i32, %c0_i32_0 : i32, i32, i32
  }
}

</mosaic_0001>

<sc_bundles>
// kernel: kernel.14.cloned.1.call-start
scs
__scs_entry_jumppad:
0x0: {  	(pc) =	sbr.rel $0x88, $3  }
0x1: {  	(tag) =	ssettag $0x0;
	lr =	simm.s32 $0x1  }
0x2: {  	[smem:$0x3F9F] =	sst lr;
	_ =	strace $0xD0000000  }
0x3: {  	_ = 	snop  }
0x4: {  	_ = 	snop  }
0x5: {  	_ = 	snop  }
0x6: {  	_ = 	snop  }
0x7: {  	_ = 	snop  }
__scs_overlays_trampoline_lowered:
0x8: {  	[smem:$0x3FAE] =	sst s0  }
0x9: {  	[smem:$0x3FAF] =	sst s1  }
0xa: {  	[smem:$0x3FB0] =	sst s2  }
0xb: {  	[smem:$0x3FB1] =	sst s3  }
0xc: {  	[smem:$0x3FB2] =	sst s4  }
0xd: {  	[smem:$0x3FB3] =	sst s5  }
0xe: {  	[smem:$0x3FB4] =	sst s6  }
0xf: {  	[smem:$0x3FB5] =	sst s7  }
0x10: {  	[smem:$0x3FB6] =	sst s8  }
0x11: {  	[smem:$0x3FB7] =	sst s9;
	s0 =	simm.s32 @!p0 $0x0  }
0x12: {  	s1 =	sld [smem:$0x3F9D];
	s0 =	simm.s32 @p0 $0x1  }
0x13: {  	[smem:$0x3FB8] =	sst s0;
	s0 =	simm.s32 @!p1 $0x0  }
0x14: {  	s2 =	sld [smem:$0x3F9C];
	s0 =	simm.s32 @p1 $0x1  }
0x15: {  	[smem:$0x3FB9] =	sst s0;
	s0 =	simm.s32 @!p2 $0x0  }
0x16: {  	s3 =	sld [smem:$0x3FDB];
	s0 =	simm.s32 @p2 $0x1  }
0x17: {  	s4 =	simm.s32 $0x1BF5;
	[smem:$0x3FBB] =	sst s0  }
0x18: {  	s0 =	sld [smem:$0x3F9E];
	_ =	swait.ge [sflag:s4], $0x0  }
0x19: {  	s7 =	sld [smem:$0x3F9F]  }
0x1a: {  	s8 =	sadd.s32 $0xFFFFE003, lr  }
0x1b: {  	s9 =	sadd.s32 $0xFFFFFEF7, lr;
	s5 =	simm.s32 $0xFFFFFFFF;
	p2 =	slt.u32 s8, $0xFFFFF086  }
0x1c: {  	p1 =	slt.u32 s9, $0xF7A;
	s5 =	simm.s32 @!p2 $0x0  }
0x1d: {  	s5 =	simm.s32 @p1 $0x1;
	p0 =	seq.s32 s7, s2  }
0x1e: {  	s7 =	smul.u32 @!p0 $0xF7A, s2;
	p2 =	seq.s32 @!p0 s5, $0x0  }
0x1f: {  	s9 =	smul.u32 $0xF7A, s1;
	s8 =	simm.s32 @!p0 $0x1BF5;
	p2 =	por !p2, p0  }
0x20: {  	[sflag:s8] =	ssyncset.s32 @!p0 $0xFFFFF086;
	s6 =	sadd.s32 @!p0 s3, s7;
	s7 =	simm.s32 @!p0 $0x108  }
0x21: {  	s3 =	sadd.s32 s3, s9;
	s6 =	sadd.s32 @!p0 $0x88, s6;
	s7 =	simm.s32 @p2 $0x1082  }
0x22: {  	[simem:s7], [sflag:s8] =	dma.local @!p0 [hbm:s6], $0xF7A  }
0x23: {  	s9 =	sor.u32 $0xD0000000, s2;
	s6 =	simm.s32 $0x108;
	_ =	swait.ge @!p0 [sflag:s8], $0x0  }
0x24: {  	s3 =	sadd.s32 $0x88, s3;
	s6 =	simm.s32 @!p1 $0x1082;
	[sflag:s4] =	ssyncset.s32 $0xFFFFF086  }
0x25: {  	[simem:s6], [sflag:s4] =	dma.local [hbm:s3], $0xF7A  }
0x26: {  	[smem:$0x3F9F] =	sst s1;
	(tag) =	ssettag s2;
	_ =	strace s9  }
0x27: {  	s1 =	sld [smem:$0x3FAF]  }
0x28: {  	s2 =	sld [smem:$0x3FB0]  }
0x29: {  	s4 =	sld [smem:$0x3FB2]  }
0x2a: {  	p0 =	seq.s32 s5, $0x0;
	s5 =	sld [smem:$0x3FB3]  }
0x2b: {  	s6 =	sld [smem:$0x3FB4]  }
0x2c: {  	s7 =	sld [smem:$0x3FB5]  }
0x2d: {  	s3 =	simm.s32 $0x108;
	s8 =	sld [smem:$0x3FB6]  }
0x2e: {  	s3 =	simm.s32 @!p0 $0x1082;
	s9 =	sld [smem:$0x3FB7]  }
0x2f: {  	lr =	sadd.s32 s0, s3;
	s0 =	sld [smem:$0x3FAE]  }
0x30: {  	s3 =	sld [smem:$0x3FB1]  }
0x31: {  	[smem:$0x3FBA] =	sst s10  }
0x32: {  	s10 =	sld [smem:$0x3FB8];
	_ =	sdelay $0x3  }
0x33: {  	p0 =	seq.s32 s10, $0x1;
	s10 =	sld [smem:$0x3FBA];
	_ =	sdelay $0x3  }
0x34: {  	[smem:$0x3FBA] =	sst s10  }
0x35: {  	s10 =	sld [smem:$0x3FB9];
	_ =	sdelay $0x3  }
0x36: {  	p1 =	seq.s32 s10, $0x1;
	s10 =	sld [smem:$0x3FBA];
	_ =	sdelay $0x3  }
0x37: {  	[smem:$0x3FBA] =	sst s10  }
0x38: {  	s10 =	sld [smem:$0x3FBB]  }
0x39: {  	_ = 	snop;
	(pc) =	sbr.ind lr, $3  }
0x3a: {  	_ = 	snop  }
0x3b: {  	_ = 	snop  }
0x3c: {  	p2 =	seq.s32 s10, $0x1;
	s10 =	sld [smem:$0x3FBA]  }
0x3d: {  	_ =	shalt  }
0x3e: {  	_ =	shalt  }
0x3f: {  	_ =	shalt  }
0x40: {  	_ =	shalt  }
0x41: {  	_ =	shalt  }
0x42: {  	_ =	shalt  }
0x43: {  	_ =	shalt  }
0x44: {  	_ =	shalt  }
0x45: {  	_ =	shalt  }
0x46: {  	_ =	shalt  }
0x47: {  	_ =	shalt  }
0x48: {  	_ =	shalt  }
0x49: {  	_ =	shalt  }
0x4a: {  	_ =	shalt  }
0x4b: {  	_ =	shalt  }
0x4c: {  	_ =	shalt  }
0x4d: {  	_ =	shalt  }
0x4e: {  	_ =	shalt  }
0x4f: {  	_ =	shalt  }
0x50: {  	_ =	shalt  }
0x51: {  	_ =	shalt  }
0x52: {  	_ =	shalt  }
0x53: {  	_ =	shalt  }
0x54: {  	_ =	shalt  }
0x55: {  	_ =	shalt  }
0x56: {  	_ =	shalt  }
0x57: {  	_ =	shalt  }
0x58: {  	_ =	shalt  }
0x59: {  	_ =	shalt  }
0x5a: {  	_ =	shalt  }
0x5b: {  	_ =	shalt  }
0x5c: {  	_ =	shalt  }
0x5d: {  	_ =	shalt  }
0x5e: {  	_ =	shalt  }
0x5f: {  	_ =	shalt  }
0x60: {  	_ =	shalt  }
0x61: {  	_ =	shalt  }
0x62: {  	_ =	shalt  }
0x63: {  	_ =	shalt  }
0x64: {  	_ =	shalt  }
0x65: {  	_ =	shalt  }
0x66: {  	_ =	shalt  }
0x67: {  	_ =	shalt  }
0x68: {  	_ =	shalt  }
0x69: {  	_ =	shalt  }
0x6a: {  	_ =	shalt  }
0x6b: {  	_ =	shalt  }
0x6c: {  	_ =	shalt  }
0x6d: {  	_ =	shalt  }
0x6e: {  	_ =	shalt  }
0x6f: {  	_ =	shalt  }
0x70: {  	_ =	shalt  }
0x71: {  	_ =	shalt  }
0x72: {  	_ =	shalt  }
0x73: {  	_ =	shalt  }
0x74: {  	_ =	shalt  }
0x75: {  	_ =	shalt  }
0x76: {  	_ =	shalt  }
0x77: {  	_ =	shalt  }
0x78: {  	_ =	shalt  }
0x79: {  	_ =	shalt  }
0x7a: {  	_ =	shalt  }
0x7b: {  	_ =	shalt  }
0x7c: {  	_ =	shalt  }
0x7d: {  	_ =	shalt  }
0x7e: {  	_ =	shalt  }
0x7f: {  	_ =	shalt  }
0x80: {  	_ =	shalt  }
0x81: {  	_ =	shalt  }
0x82: {  	_ =	shalt  }
0x83: {  	_ =	shalt  }
0x84: {  	_ =	shalt  }
0x85: {  	_ =	shalt  }
0x86: {  	_ =	shalt  }
0x87: {  	_ =	shalt  }
.Lfunc_end0:
.L_simem_size_0:
called_computation_lowered:
.L_overlay_start_0:
0x88: {  	s2 =	sld [smem:$0x3FD9]  }
0x89: {  	s3 =	sld [smem:$0x3FFE];
	_ =	sdelay $0x1  }
0x8a: {  	s1 =	srdreg.scid  }
0x8b: {  	s0 =	sand.u32 $0x1, s1  }
0x8c: {  	s15 =	sshll.u32 s0, $0xA;
	s2 =	sadd.s32 s3, s2  }
0x8d: {  	s2 =	sadd.s32 s2, s15  }
0x8e: {  	[smem:$0x3FC6] =	sst s2  }
0x8f: {  	_ = 	snop  }
0x90: {  	s2 =	sld [smem:$0x3FD0];
	_ =	sdelay $0x2  }
0x91: {  	s16 =	simm.s32 $0xD;
	s4 =	simm.s32 $0x10  }
0x92: {  	[smem:s4], [sflag:s16] =	dma.local [hbm:s2], $0x1  }
0x93: {  	_ =	swait.eq [sflag:s16], $0x1  }
0x94: {  	[sflag:s16] =	ssyncset.done $0x0  }
0x95: {  	[sflag:s16] =	ssyncadd.s32 $0xFFFFFFFF  }
0x96: {  	s17 =	sld [smem:$0x10];
	(tm) =	ssettm $0x1  }
0x97: {  	s18 =	sld [smem:$0x3FFB];
	_ =	sdelay $0x3  }
0x98: {  	_ =	strace s18  }
0x99: {  	s2 =	sld [smem:$0x3FFC];
	_ =	sdelay $0x3  }
0x9a: {  	_ =	strace s2  }
0x9b: {  	s2 =	sld [smem:$0x3FFD];
	_ =	sdelay $0x3  }
0x9c: {  	_ =	strace s2  }
0x9d: {  	_ =	strace $0x8FFFFFFF  }
0x9e: {  	s19 =	sld [smem:$0x3FDB];
	_ =	sdelay $0x1  }
0x9f: {  	s20 =	simm.s32 $_scs_section_size  }
0xa0: {  	s5 =	simm.s32 $_size__tile_overlayer_lowered;
	s6 =	simm.s32 $_tile_overlayer_lowered  }
0xa1: {  	s7 =	simm.s32 $0x1BFF;
	s21 =	sshll.u32 s6, $0x1;
	s4 =	sadd.s32 s20, s19  }
0xa2: {  	s22 =	simm.s32 $0x0;
	s5 =	sshll.u32 s5, $0x1;
	s6 =	sadd.s32 s21, s4  }
0xa3: {  	[timem:s22], [sflag:s7] =	dma.local [hbm:s6], s5  }
0xa4: {  	_ =	swait.ge [sflag:s7], s5  }
0xa5: {  	s5 =	ssub.s32 $0x0, s5;
	[sflag:s7] =	ssyncset.done $0x0  }
0xa6: {  	[sflag:s7] =	ssyncadd.s32 s5;
	_ =	sdelay $0x1  }
0xa7: {  	s23 =	simm.s32 $0x1B8B  }
0xa8: {  	_ =	swait.ge [sflag:s23], $0x1  }
0xa9: {  	[sflag:s23] =	ssyncset.done $0x0  }
0xaa: {  	[sflag:s23] =	ssyncadd.s32 $0xFFFFFFFF  }
0xab: {  	s5 =	sld [smem:$0x0]  }
0xac: {  	s6 =	sand.u32 $0xFFFFFFFE, s1  }
0xad: {  	p0 =	sne.s32 s1, s6  }
0xae: {  	s6 =	sshll.u32 @p0 s6, $0xE  }
0xaf: {  	s6 =	sadd.s32 @p0 $0x11B8D, s6;
	s7 =	sshll.u32 @p0 s5, $0x11  }
0xb0: {  	s6 =	sor.u32 @p0 s7, s6  }
0xb1: {  	[sflag:s6] =	ssyncadd.remote.s32 @p0 $0x1;
	_ =	sdelay $0x1  }
0xb2: {  	s6 =	simm.s32 @p0 $0x1B8D  }
0xb3: {  	_ =	swait.eq @p0 [sflag:s6], $0x1  }
0xb4: {  	[sflag:s6] =	ssyncadd.s32 @p0 $0xFFFFFFFF  }
0xb5: {  	s7 =	sshll.u32 @!p0 s1, $0xE  }
0xb6: {  	s7 =	sor.u32 @!p0 $0x4000, s7;
	s6 =	simm.s32 @!p0 $0x1B8D  }
0xb7: {  	s5 =	sshll.u32 @!p0 s5, $0x11;
	s7 =	sadd.s32 @!p0 $0x11B8D, s7;
	_ =	swait.eq @!p0 [sflag:s6], $0x1  }
0xb8: {  	s5 =	sor.u32 @!p0 s5, s7;
	[sflag:s6] =	ssyncadd.s32 @!p0 $0xFFFFFFFF  }
0xb9: {  	s25 =	simm.s32 $0x1B8E;
	s24 =	sld [smem:$0x3FFE];
	[sflag:s5] =	ssyncadd.remote.s32 @!p0 $0x1  }
0xba: {  	s26 =	simm.s32 $execute0_lowered;
	[smem:$0x3FD2] =	sst s25  }
0xbb: {  	s6 =	sshll.u32 s26, $0x1;
	_ =	strace $0x8000004F;
	[dreg:$0x1] =	wrdreg $0xFFFFFFFF  }
0xbc: {  	s28 =	simm.s32 $_size_execute0_lowered;
	s4 =	sadd.s32 s4, s6;
	[dreg:$0x0] =	wrdreg $0x0  }
0xbd: {  	s6 =	sshll.u32 s28, $0x1;
	[dreg:$0x2] =	wrdreg s4  }
0xbe: {  	[dreg:$0x3] =	wrdreg s6  }
0xbf: {  	[dreg:$0x4] =	wrdreg $0xC0  }
0xc0: {  	_ =	task [dreg:s22], $0x5FFFF  }
0xc1: {  	[dreg:$0x1] =	wrdreg $0xFFFFFFFF  }
0xc2: {  	[dreg:$0x0] =	wrdreg $0x60  }
0xc3: {  	[dreg:$0x2] =	wrdreg s24  }
0xc4: {  	[dreg:$0x3] =	wrdreg s17  }
0xc5: {  	[dreg:$0x4] =	wrdreg $0x9  }
0xc6: {  	_ =	task.clear_ibuf [dreg:s22], $0x5FFFF;
	_ =	strace $0x9000004F  }
0xc7: {  	s29 =	simm.s32 $0x9;
	_ =	strace $0x80000051  }
0xc8: {  	_ =	swait.ge [sflag:s29], $0x1  }
0xc9: {  	[sflag:s29] =	ssyncadd.s32 $0xFFFFFFFF  }
0xca: {  	_ =	strace $0x90000051  }
0xcb: {  	_ =	sfence  }
0xcc: {  	s30 =	sld [smem:$0x0];
	_ =	sdelay $0x2  }
0xcd: {  	s31 =	sshll.u32 s1, $0xD;
	s1 =	sshrl.u32 s1, $0x2  }
0xce: {  	s4 =	sand.u32 $0x4000, s31;
	s1 =	sadd.s32 s1, s30  }
0xcf: {  	s0 =	sor.u32 s4, s0;
	s1 =	sshll.u32 s1, $0x11  }
0xd0: {  	s0 =	sor.u32 s1, s0  }
0xd1: {  	s0 =	sadd.s32 $0x8F2B, s0  }
0xd2: {  	[sflag:s0] =	ssyncadd.remote.s32 $0x1  }
0xd3: {  	_ =	sfence.sel $0xFFFF  }
0xd4: {  	[dreg:$0x0] =	wrdreg $0xFFFFFFFF;
	(pc) =	sbr.abs _section_cstart, $3  }
0xd5: {  	[dreg:$0x1] =	wrdreg $0xFFFFFFFF  }
0xd6: {  	_ =	task.clear_ibuf [dreg:s22], $0x2FFFF;
	_ =	strace $0x9FFFFFFF  }
0xd7: {  	(tm) =	ssettm $0x7FFFFFFF  }
tec
execute0_lowered:
.L_overlay_start_1:
0x0: {  	(tag) =	ssettag $0x1  }
0x1: {  	s1 =	srdreg.scid  }
0x2: {  	s0 =	stileid.u32;
	s6 =	sand.u32 $0x1, s1  }
0x3: {  	s5 =	rddreg [dreg:$0x0];
	s31 =	sshll.u32 s0, $0xA;
	s2 =	sshll.u32 s6, $0x9  }
0x4: {  	s8 =	rddreg [dreg:$0x1];
	s9 =	sor.u32 s2, s31  }
0x5: {  	s1 =	rddreg [dreg:$0x2];
	s2 =	simm.s32 $0x0;
	s3 =	sshrl.u32 s9, $0x3  }
0x6: {  	s4 =	simm.s32 $0x3;
	[smem:$0x7FF] =	sst s2;
	s3 =	sadd.s32 s3, s5  }
0x7: {  	s10 =	ssub.s32 $0x2, s6;
	_ =	strace $0x80000050;
	s3 =	sadd.s32 $0xC6600, s3  }
0x8: {  	[tilespmem:s2], [sflag:$0x3] =	stream.linear.gather [hbm4b:s3+s2], $0x200, $0x38;
	[tilespmem:$0x10200] =	vst v63  }
0x9: {  	s7 =	simm.s32 $0x1;
	s11 =	sshrl.u32 s10, $0x1;
	_ =	swait.ge [sflag:s4], $0x200  }
0xa: {  	s6 =	simm.s32 $0x200;
	s10 =	ssub.s32 s10, s11;
	[sflag:s4] =	ssyncset.done $0x0  }
0xb: {  	s5 =	sadd.s32 $0x1600, s5;
	s10 =	smax.u32 s10, $0x1;
	[sflag:s4] =	ssyncadd.s32 $0xFFFFFE00  }
0xc: {  	[tilespmem:s6], [sflag:$0x1] =	stream.indirect.gather [hbm4b:s5+s6], $0x80, s2, s6, $0xb8;
	[tilespmem:$0x10200] =	vst v63  }
0xd: {  	p0 =	sne.s32 s10, $0x1;
	_ =	swait.ge [sflag:s7], $0x10000  }
.Ltmp0:
0xe: {  	s9 =	sshll.u32 s9, $0x4;
	[sflag:s7] =	ssyncset.done $0x0;
	(pc) =	sbr.rel @!p0 .LBB2_2-.Ltmp0, $4  }
0xf: {  	s8 =	sadd.s32 s8, s9;
	s9 =	simm.s32 $0x2;
	[sflag:s7] =	ssyncadd.s32 $0xFFFF0000  }
0x10: {  	[hbm4b:s8+s2] =	stream.linear.scatter [tilespmem:s6], [sflag:$0x2], $0x10000, $0x38;
	[tilespmem:$0x10200] =	vst v63  }
0x11: {  	_ =	swait.ge [sflag:s9], $0x10000  }
0x12: {  	s10 =	sadd.s32 $0xFFFFFFFF, s10;
	[sflag:s9] =	ssyncset.done $0x0  }
.LBB2_1:
0x13: {  	p0 =	sne.s32 s10, $0x1;
	s10 =	sadd.s32 $0xFFFFFFFF, s10;
	[sflag:s9] =	ssyncadd.s32 $0xFFFF0000  }
0x14: {  	[tilespmem:s2], [sflag:$0x3] =	stream.linear.gather [hbm4b:s3+s2], $0x200, $0x38;
	[tilespmem:$0x10200] =	vst v63  }
0x15: {  	_ =	swait.ge [sflag:s4], $0x200  }
0x16: {  	[sflag:s4] =	ssyncset.done $0x0  }
0x17: {  	[sflag:s4] =	ssyncadd.s32 $0xFFFFFE00  }
0x18: {  	[tilespmem:s6], [sflag:$0x1] =	stream.indirect.gather [hbm4b:s5+s6], $0x80, s2, s6, $0xb8;
	[tilespmem:$0x10200] =	vst v63  }
0x19: {  	_ =	swait.ge [sflag:s7], $0x10000  }
.Ltmp1:
0x1a: {  	[sflag:s7] =	ssyncset.done $0x0;
	(pc) =	sbr.rel @p0 .LBB2_1-.Ltmp1, $4  }
0x1b: {  	[sflag:s7] =	ssyncadd.s32 $0xFFFF0000  }
0x1c: {  	[hbm4b:s8+s2] =	stream.linear.scatter [tilespmem:s6], [sflag:$0x2], $0x10000, $0x38;
	[tilespmem:$0x10200] =	vst v63  }
0x1d: {  	_ =	swait.ge [sflag:s9], $0x10000  }
0x1e: {  	[sflag:s9] =	ssyncset.done $0x0  }
.LBB2_2:
0x1f: {  	[sflag:s9] =	ssyncadd.s32 $0xFFFF0000  }
0x20: {  	_ =	sfence.sel $0x180000  }
0x21: {  	[bflag:$0x0] =	sbarrier.arrive $0xFFFF  }
0x22: {  	p0 =	sne.s32 s0, $0x0;
	_ =	strace $0x90000050  }
0x23: {  	s0 =	sadd.s32 @!p0 $0x100000, s1;
	[bflag:$0x2] =	sbarrier.arrive $0xFFFF  }
0x24: {  	[sflag:s0] =	ssyncadd.tile.s32 @!p0 $0x1;
	_ =	shalt  }
.Lfunc_end2:
_tile_overlayer_lowered:
.L_overlay_start_2:
0x25: {  	(tag) =	ssettag $0x2  }
0x26: {  	s0 =	rddreg [dreg:$0x0];
	s2 =	stileid.u32  }
0x27: {  	s1 =	rddreg [dreg:$0x1];
	p0 =	sne.s32 s2, $0x0  }
0x28: {  	s3 =	rddreg [dreg:$0x2];
	[bflag:$0x3] =	sbarrier.arrive $0xFFFF;
	s2 =	simm.s32 @!p0 $0x1C03  }
0x29: {  	[timem:s3], [sflag:s2] =	dma.local @!p0 [hbm:s0], s1  }
0x2a: {  	s0 =	simm.s32 @!p0 $0x3  }
0x2b: {  	_ =	swait.ge @!p0 [sflag:s0], s1  }
0x2c: {  	s1 =	ssub.s32 @!p0 $0x0, s1;
	[sflag:s0] =	ssyncset.done @!p0 $0x0  }
0x2d: {  	[sflag:s0] =	ssyncadd.s32 @!p0 s1  }
0x2e: {  	[bflag:$0x3] =	sbarrier.arrive $0xFFFF  }
0x2f: {  	_ =	shalt  }

// kernel: kernel.17.cloned.1.call-start
scs
__scs_entry_jumppad:
0x0: {  	(pc) =	sbr.rel $0x88, $3  }
0x1: {  	(tag) =	ssettag $0x0;
	lr =	simm.s32 $0x1  }
0x2: {  	[smem:$0x3F9F] =	sst lr;
	_ =	strace $0xD0000000  }
0x3: {  	_ = 	snop  }
0x4: {  	_ = 	snop  }
0x5: {  	_ = 	snop  }
0x6: {  	_ = 	snop  }
0x7: {  	_ = 	snop  }
__scs_overlays_trampoline_lowered:
0x8: {  	[smem:$0x3FAE] =	sst s0  }
0x9: {  	[smem:$0x3FAF] =	sst s1  }
0xa: {  	[smem:$0x3FB0] =	sst s2  }
0xb: {  	[smem:$0x3FB1] =	sst s3  }
0xc: {  	[smem:$0x3FB2] =	sst s4  }
0xd: {  	[smem:$0x3FB3] =	sst s5  }
0xe: {  	[smem:$0x3FB4] =	sst s6  }
0xf: {  	[smem:$0x3FB5] =	sst s7  }
0x10: {  	[smem:$0x3FB6] =	sst s8  }
0x11: {  	[smem:$0x3FB7] =	sst s9;
	s0 =	simm.s32 @!p0 $0x0  }
0x12: {  	s1 =	sld [smem:$0x3F9D];
	s0 =	simm.s32 @p0 $0x1  }
0x13: {  	[smem:$0x3FB8] =	sst s0;
	s0 =	simm.s32 @!p1 $0x0  }
0x14: {  	s2 =	sld [smem:$0x3F9C];
	s0 =	simm.s32 @p1 $0x1  }
0x15: {  	[smem:$0x3FB9] =	sst s0;
	s0 =	simm.s32 @!p2 $0x0  }
0x16: {  	s3 =	sld [smem:$0x3FDB];
	s0 =	simm.s32 @p2 $0x1  }
0x17: {  	s4 =	simm.s32 $0x1BF5;
	[smem:$0x3FBB] =	sst s0  }
0x18: {  	s0 =	sld [smem:$0x3F9E];
	_ =	swait.ge [sflag:s4], $0x0  }
0x19: {  	s7 =	sld [smem:$0x3F9F]  }
0x1a: {  	s8 =	sadd.s32 $0xFFFFE003, lr  }
0x1b: {  	s9 =	sadd.s32 $0xFFFFFEF7, lr;
	s5 =	simm.s32 $0xFFFFFFFF;
	p2 =	slt.u32 s8, $0xFFFFF086  }
0x1c: {  	p1 =	slt.u32 s9, $0xF7A;
	s5 =	simm.s32 @!p2 $0x0  }
0x1d: {  	s5 =	simm.s32 @p1 $0x1;
	p0 =	seq.s32 s7, s2  }
0x1e: {  	s7 =	smul.u32 @!p0 $0xF7A, s2;
	p2 =	seq.s32 @!p0 s5, $0x0  }
0x1f: {  	s9 =	smul.u32 $0xF7A, s1;
	s8 =	simm.s32 @!p0 $0x1BF5;
	p2 =	por !p2, p0  }
0x20: {  	[sflag:s8] =	ssyncset.s32 @!p0 $0xFFFFF086;
	s6 =	sadd.s32 @!p0 s3, s7;
	s7 =	simm.s32 @!p0 $0x108  }
0x21: {  	s3 =	sadd.s32 s3, s9;
	s6 =	sadd.s32 @!p0 $0x88, s6;
	s7 =	simm.s32 @p2 $0x1082  }
0x22: {  	[simem:s7], [sflag:s8] =	dma.local @!p0 [hbm:s6], $0xF7A  }
0x23: {  	s9 =	sor.u32 $0xD0000000, s2;
	s6 =	simm.s32 $0x108;
	_ =	swait.ge @!p0 [sflag:s8], $0x0  }
0x24: {  	s3 =	sadd.s32 $0x88, s3;
	s6 =	simm.s32 @!p1 $0x1082;
	[sflag:s4] =	ssyncset.s32 $0xFFFFF086  }
0x25: {  	[simem:s6], [sflag:s4] =	dma.local [hbm:s3], $0xF7A  }
0x26: {  	[smem:$0x3F9F] =	sst s1;
	(tag) =	ssettag s2;
	_ =	strace s9  }
0x27: {  	s1 =	sld [smem:$0x3FAF]  }
0x28: {  	s2 =	sld [smem:$0x3FB0]  }
0x29: {  	s4 =	sld [smem:$0x3FB2]  }
0x2a: {  	p0 =	seq.s32 s5, $0x0;
	s5 =	sld [smem:$0x3FB3]  }
0x2b: {  	s6 =	sld [smem:$0x3FB4]  }
0x2c: {  	s7 =	sld [smem:$0x3FB5]  }
0x2d: {  	s3 =	simm.s32 $0x108;
	s8 =	sld [smem:$0x3FB6]  }
0x2e: {  	s3 =	simm.s32 @!p0 $0x1082;
	s9 =	sld [smem:$0x3FB7]  }
0x2f: {  	lr =	sadd.s32 s0, s3;
	s0 =	sld [smem:$0x3FAE]  }
0x30: {  	s3 =	sld [smem:$0x3FB1]  }
0x31: {  	[smem:$0x3FBA] =	sst s10  }
0x32: {  	s10 =	sld [smem:$0x3FB8];
	_ =	sdelay $0x3  }
0x33: {  	p0 =	seq.s32 s10, $0x1;
	s10 =	sld [smem:$0x3FBA];
	_ =	sdelay $0x3  }
0x34: {  	[smem:$0x3FBA] =	sst s10  }
0x35: {  	s10 =	sld [smem:$0x3FB9];
	_ =	sdelay $0x3  }
0x36: {  	p1 =	seq.s32 s10, $0x1;
	s10 =	sld [smem:$0x3FBA];
	_ =	sdelay $0x3  }
0x37: {  	[smem:$0x3FBA] =	sst s10  }
0x38: {  	s10 =	sld [smem:$0x3FBB]  }
0x39: {  	_ = 	snop;
	(pc) =	sbr.ind lr, $3  }
0x3a: {  	_ = 	snop  }
0x3b: {  	_ = 	snop  }
0x3c: {  	p2 =	seq.s32 s10, $0x1;
	s10 =	sld [smem:$0x3FBA]  }
0x3d: {  	_ =	shalt  }
0x3e: {  	_ =	shalt  }
0x3f: {  	_ =	shalt  }
0x40: {  	_ =	shalt  }
0x41: {  	_ =	shalt  }
0x42: {  	_ =	shalt  }
0x43: {  	_ =	shalt  }
0x44: {  	_ =	shalt  }
0x45: {  	_ =	shalt  }
0x46: {  	_ =	shalt  }
0x47: {  	_ =	shalt  }
0x48: {  	_ =	shalt  }
0x49: {  	_ =	shalt  }
0x4a: {  	_ =	shalt  }
0x4b: {  	_ =	shalt  }
0x4c: {  	_ =	shalt  }
0x4d: {  	_ =	shalt  }
0x4e: {  	_ =	shalt  }
0x4f: {  	_ =	shalt  }
0x50: {  	_ =	shalt  }
0x51: {  	_ =	shalt  }
0x52: {  	_ =	shalt  }
0x53: {  	_ =	shalt  }
0x54: {  	_ =	shalt  }
0x55: {  	_ =	shalt  }
0x56: {  	_ =	shalt  }
0x57: {  	_ =	shalt  }
0x58: {  	_ =	shalt  }
0x59: {  	_ =	shalt  }
0x5a: {  	_ =	shalt  }
0x5b: {  	_ =	shalt  }
0x5c: {  	_ =	shalt  }
0x5d: {  	_ =	shalt  }
0x5e: {  	_ =	shalt  }
0x5f: {  	_ =	shalt  }
0x60: {  	_ =	shalt  }
0x61: {  	_ =	shalt  }
0x62: {  	_ =	shalt  }
0x63: {  	_ =	shalt  }
0x64: {  	_ =	shalt  }
0x65: {  	_ =	shalt  }
0x66: {  	_ =	shalt  }
0x67: {  	_ =	shalt  }
0x68: {  	_ =	shalt  }
0x69: {  	_ =	shalt  }
0x6a: {  	_ =	shalt  }
0x6b: {  	_ =	shalt  }
0x6c: {  	_ =	shalt  }
0x6d: {  	_ =	shalt  }
0x6e: {  	_ =	shalt  }
0x6f: {  	_ =	shalt  }
0x70: {  	_ =	shalt  }
0x71: {  	_ =	shalt  }
0x72: {  	_ =	shalt  }
0x73: {  	_ =	shalt  }
0x74: {  	_ =	shalt  }
0x75: {  	_ =	shalt  }
0x76: {  	_ =	shalt  }
0x77: {  	_ =	shalt  }
0x78: {  	_ =	shalt  }
0x79: {  	_ =	shalt  }
0x7a: {  	_ =	shalt  }
0x7b: {  	_ =	shalt  }
0x7c: {  	_ =	shalt  }
0x7d: {  	_ =	shalt  }
0x7e: {  	_ =	shalt  }
0x7f: {  	_ =	shalt  }
0x80: {  	_ =	shalt  }
0x81: {  	_ =	shalt  }
0x82: {  	_ =	shalt  }
0x83: {  	_ =	shalt  }
0x84: {  	_ =	shalt  }
0x85: {  	_ =	shalt  }
0x86: {  	_ =	shalt  }
0x87: {  	_ =	shalt  }
.Lfunc_end0:
.L_simem_size_0:
called_computation.1_lowered:
.L_overlay_start_0:
0x88: {  	s2 =	sld [smem:$0x3FD9]  }
0x89: {  	s3 =	sld [smem:$0x3FFE];
	_ =	sdelay $0x1  }
0x8a: {  	s1 =	srdreg.scid  }
0x8b: {  	s0 =	sand.u32 $0x1, s1  }
0x8c: {  	s17 =	sshll.u32 s0, $0xA;
	s2 =	sadd.s32 s3, s2  }
0x8d: {  	s2 =	sadd.s32 s2, s17  }
0x8e: {  	[smem:$0x3FC6] =	sst s2  }
0x8f: {  	_ = 	snop  }
0x90: {  	(tm) =	ssettm $0x1  }
0x91: {  	s18 =	sld [smem:$0x3FFB];
	_ =	sdelay $0x3  }
0x92: {  	_ =	strace s18  }
0x93: {  	s2 =	sld [smem:$0x3FFC];
	_ =	sdelay $0x3  }
0x94: {  	_ =	strace s2  }
0x95: {  	s2 =	sld [smem:$0x3FFD];
	_ =	sdelay $0x3  }
0x96: {  	_ =	strace s2  }
0x97: {  	_ =	strace $0x8FFFFFFF  }
0x98: {  	s19 =	sld [smem:$0x3FDB];
	_ =	sdelay $0x1  }
0x99: {  	s20 =	simm.s32 $_scs_section_size  }
0x9a: {  	s4 =	simm.s32 $_size__tile_overlayer_lowered;
	s5 =	simm.s32 $_tile_overlayer_lowered  }
0x9b: {  	s6 =	simm.s32 $0x1BFF;
	s21 =	sshll.u32 s5, $0x1;
	s3 =	sadd.s32 s20, s19  }
0x9c: {  	s22 =	simm.s32 $0x0;
	s4 =	sshll.u32 s4, $0x1;
	s5 =	sadd.s32 s21, s3  }
0x9d: {  	[timem:s22], [sflag:s6] =	dma.local [hbm:s5], s4  }
0x9e: {  	_ =	swait.ge [sflag:s6], s4  }
0x9f: {  	s4 =	ssub.s32 $0x0, s4;
	[sflag:s6] =	ssyncset.done $0x0  }
0xa0: {  	[sflag:s6] =	ssyncadd.s32 s4;
	_ =	sdelay $0x1  }
0xa1: {  	s23 =	simm.s32 $0x1B8B  }
0xa2: {  	_ =	swait.ge [sflag:s23], $0x1  }
0xa3: {  	[sflag:s23] =	ssyncset.done $0x0  }
0xa4: {  	[sflag:s23] =	ssyncadd.s32 $0xFFFFFFFF  }
0xa5: {  	s4 =	sld [smem:$0x0]  }
0xa6: {  	s5 =	sand.u32 $0xFFFFFFFE, s1  }
0xa7: {  	p0 =	sne.s32 s1, s5  }
0xa8: {  	s5 =	sshll.u32 @p0 s5, $0xE  }
0xa9: {  	s5 =	sadd.s32 @p0 $0x11B8D, s5;
	s6 =	sshll.u32 @p0 s4, $0x11  }
0xaa: {  	s5 =	sor.u32 @p0 s6, s5  }
0xab: {  	[sflag:s5] =	ssyncadd.remote.s32 @p0 $0x1;
	_ =	sdelay $0x1  }
0xac: {  	s5 =	simm.s32 @p0 $0x1B8D  }
0xad: {  	_ =	swait.eq @p0 [sflag:s5], $0x1  }
0xae: {  	[sflag:s5] =	ssyncadd.s32 @p0 $0xFFFFFFFF  }
0xaf: {  	s6 =	sshll.u32 @!p0 s1, $0xE  }
0xb0: {  	s6 =	sor.u32 @!p0 $0x4000, s6;
	s5 =	simm.s32 @!p0 $0x1B8D  }
0xb1: {  	s4 =	sshll.u32 @!p0 s4, $0x11;
	s6 =	sadd.s32 @!p0 $0x11B8D, s6;
	_ =	swait.eq @!p0 [sflag:s5], $0x1  }
0xb2: {  	s4 =	sor.u32 @!p0 s4, s6;
	[sflag:s5] =	ssyncadd.s32 @!p0 $0xFFFFFFFF  }
0xb3: {  	s25 =	simm.s32 $0x1B8E;
	s24 =	sld [smem:$0x3FFE];
	[sflag:s4] =	ssyncadd.remote.s32 @!p0 $0x1  }
0xb4: {  	s26 =	simm.s32 $execute0_lowered;
	[smem:$0x3FD2] =	sst s25  }
0xb5: {  	s5 =	sshll.u32 s26, $0x1;
	_ =	strace $0x80000049;
	[dreg:$0x1] =	wrdreg $0xFFFFFFFF  }
0xb6: {  	s28 =	simm.s32 $_size_execute0_lowered;
	s3 =	sadd.s32 s3, s5;
	[dreg:$0x0] =	wrdreg $0x0  }
0xb7: {  	s5 =	sshll.u32 s28, $0x1;
	[dreg:$0x2] =	wrdreg s3  }
0xb8: {  	[dreg:$0x3] =	wrdreg s5  }
0xb9: {  	[dreg:$0x4] =	wrdreg $0xC0  }
0xba: {  	_ =	task [dreg:s22], $0x5FFFF  }
0xbb: {  	[dreg:$0x1] =	wrdreg $0xFFFFFFFF  }
0xbc: {  	[dreg:$0x0] =	wrdreg $0x60  }
0xbd: {  	[dreg:$0x2] =	wrdreg s24  }
0xbe: {  	[dreg:$0x3] =	wrdreg $0xA  }
0xbf: {  	_ =	task.clear_ibuf [dreg:s22], $0x4FFFF;
	_ =	strace $0x90000049  }
0xc0: {  	s29 =	simm.s32 $0xA;
	_ =	strace $0x8000004B  }
0xc1: {  	_ =	swait.ge [sflag:s29], $0x1  }
0xc2: {  	[sflag:s29] =	ssyncadd.s32 $0xFFFFFFFF  }
0xc3: {  	_ =	strace $0x9000004B  }
0xc4: {  	_ =	sfence  }
0xc5: {  	s30 =	sld [smem:$0x0];
	_ =	sdelay $0x2  }
0xc6: {  	s31 =	sshll.u32 s1, $0xD;
	s1 =	sshrl.u32 s1, $0x2  }
0xc7: {  	s4 =	sand.u32 $0x4000, s31;
	s1 =	sadd.s32 s1, s30  }
0xc8: {  	s0 =	sor.u32 s4, s0;
	s1 =	sshll.u32 s1, $0x11  }
0xc9: {  	s0 =	sor.u32 s1, s0  }
0xca: {  	s0 =	sadd.s32 $0x8F2B, s0  }
0xcb: {  	[sflag:s0] =	ssyncadd.remote.s32 $0x1  }
0xcc: {  	_ =	sfence.sel $0xFFFF  }
0xcd: {  	[dreg:$0x0] =	wrdreg $0xFFFFFFFF;
	(pc) =	sbr.abs _section_cstart, $3  }
0xce: {  	[dreg:$0x1] =	wrdreg $0xFFFFFFFF  }
0xcf: {  	_ =	task.clear_ibuf [dreg:s22], $0x2FFFF;
	_ =	strace $0x9FFFFFFF  }
0xd0: {  	(tm) =	ssettm $0x7FFFFFFF  }
0xd1: {  	_ =	shalt  }
tec
execute0_lowered:
.L_overlay_start_1:
0x0: {  	(tag) =	ssettag $0x1  }
0x1: {  	s1 =	srdreg.scid  }
0x2: {  	s0 =	stileid.u32;
	s6 =	sand.u32 $0x1, s1  }
0x3: {  	s8 =	rddreg [dreg:$0x0];
	s30 =	sshll.u32 s0, $0xA;
	s2 =	sshll.u32 s6, $0x9  }
0x4: {  	s4 =	simm.s32 $0x3;
	s1 =	rddreg [dreg:$0x1];
	s7 =	sor.u32 s2, s30  }
0x5: {  	s5 =	sadd.s32 $0x1600, s8;
	s2 =	simm.s32 $0x0;
	s3 =	sshrl.u32 s7, $0x3  }
0x6: {  	s10 =	ssub.s32 $0x2, s6;
	[smem:$0x7FF] =	sst s2;
	s3 =	sadd.s32 s3, s8  }
0x7: {  	s6 =	simm.s32 $0x200;
	_ =	strace $0x8000004A;
	s3 =	sadd.s32 $0x45600, s3  }
0x8: {  	[tilespmem:s2], [sflag:$0x3] =	stream.linear.gather [hbm4b:s3+s2], $0x200, $0x38;
	[tilespmem:$0x10200] =	vst v63  }
0x9: {  	s31 =	sshrl.u32 s10, $0x1;
	s9 =	sshll.u32 s7, $0x4;
	_ =	swait.ge [sflag:s4], $0x200  }
0xa: {  	s8 =	sadd.s32 s9, s8;
	s9 =	ssub.s32 s10, s31;
	[sflag:s4] =	ssyncset.done $0x0  }
0xb: {  	s7 =	simm.s32 $0x1;
	s10 =	smax.u32 s9, $0x1;
	[sflag:s4] =	ssyncadd.s32 $0xFFFFFE00  }
0xc: {  	[tilespmem:s6], [sflag:$0x1] =	stream.indirect.gather [hbm4b:s5+s6], $0x80, s2, s6, $0xb8;
	[tilespmem:$0x10200] =	vst v63  }
0xd: {  	p0 =	sne.s32 s10, $0x1;
	_ =	swait.ge [sflag:s7], $0x10000  }
.Ltmp0:
0xe: {  	[sflag:s7] =	ssyncset.done $0x0;
	(pc) =	sbr.rel @!p0 .LBB2_2-.Ltmp0, $4  }
0xf: {  	s8 =	sadd.s32 $0x45E00, s8;
	s9 =	simm.s32 $0x2;
	[sflag:s7] =	ssyncadd.s32 $0xFFFF0000  }
0x10: {  	[hbm4b:s8+s2] =	stream.linear.scatter [tilespmem:s6], [sflag:$0x2], $0x10000, $0x38;
	[tilespmem:$0x10200] =	vst v63  }
0x11: {  	_ =	swait.ge [sflag:s9], $0x10000  }
0x12: {  	s10 =	sadd.s32 $0xFFFFFFFF, s10;
	[sflag:s9] =	ssyncset.done $0x0  }
.LBB2_1:
0x13: {  	p0 =	sne.s32 s10, $0x1;
	s10 =	sadd.s32 $0xFFFFFFFF, s10;
	[sflag:s9] =	ssyncadd.s32 $0xFFFF0000  }
0x14: {  	[tilespmem:s2], [sflag:$0x3] =	stream.linear.gather [hbm4b:s3+s2], $0x200, $0x38;
	[tilespmem:$0x10200] =	vst v63  }
0x15: {  	_ =	swait.ge [sflag:s4], $0x200  }
0x16: {  	[sflag:s4] =	ssyncset.done $0x0  }
0x17: {  	[sflag:s4] =	ssyncadd.s32 $0xFFFFFE00  }
0x18: {  	[tilespmem:s6], [sflag:$0x1] =	stream.indirect.gather [hbm4b:s5+s6], $0x80, s2, s6, $0xb8;
	[tilespmem:$0x10200] =	vst v63  }
0x19: {  	_ =	swait.ge [sflag:s7], $0x10000  }
.Ltmp1:
0x1a: {  	[sflag:s7] =	ssyncset.done $0x0;
	(pc) =	sbr.rel @p0 .LBB2_1-.Ltmp1, $4  }
0x1b: {  	[sflag:s7] =	ssyncadd.s32 $0xFFFF0000  }
0x1c: {  	[hbm4b:s8+s2] =	stream.linear.scatter [tilespmem:s6], [sflag:$0x2], $0x10000, $0x38;
	[tilespmem:$0x10200] =	vst v63  }
0x1d: {  	_ =	swait.ge [sflag:s9], $0x10000  }
0x1e: {  	[sflag:s9] =	ssyncset.done $0x0  }
.LBB2_2:
0x1f: {  	[sflag:s9] =	ssyncadd.s32 $0xFFFF0000  }
0x20: {  	_ =	sfence.sel $0x180000  }
0x21: {  	[bflag:$0x0] =	sbarrier.arrive $0xFFFF  }
0x22: {  	p0 =	sne.s32 s0, $0x0;
	_ =	strace $0x9000004A  }
0x23: {  	s0 =	sadd.s32 @!p0 $0x100000, s1;
	[bflag:$0x2] =	sbarrier.arrive $0xFFFF  }
0x24: {  	[sflag:s0] =	ssyncadd.tile.s32 @!p0 $0x1;
	_ =	shalt  }
.Lfunc_end2:
_tile_overlayer_lowered:
.L_overlay_start_2:
0x25: {  	(tag) =	ssettag $0x2  }
0x26: {  	s0 =	rddreg [dreg:$0x0];
	s2 =	stileid.u32  }
0x27: {  	s1 =	rddreg [dreg:$0x1];
	p0 =	sne.s32 s2, $0x0  }
0x28: {  	s3 =	rddreg [dreg:$0x2];
	[bflag:$0x3] =	sbarrier.arrive $0xFFFF;
	s2 =	simm.s32 @!p0 $0x1C03  }
0x29: {  	[timem:s3], [sflag:s2] =	dma.local @!p0 [hbm:s0], s1  }
0x2a: {  	s0 =	simm.s32 @!p0 $0x3  }
0x2b: {  	_ =	swait.ge @!p0 [sflag:s0], s1  }
0x2c: {  	s1 =	ssub.s32 @!p0 $0x0, s1;
	[sflag:s0] =	ssyncset.done @!p0 $0x0  }
0x2d: {  	[sflag:s0] =	ssyncadd.s32 @!p0 s1  }
0x2e: {  	[bflag:$0x3] =	sbarrier.arrive $0xFFFF  }
0x2f: {  	_ =	shalt  }

// kernel: kernel.20.cloned.1.call-start
scs
__scs_entry_jumppad:
0x0: {  	(pc) =	sbr.rel $0x88, $3  }
0x1: {  	(tag) =	ssettag $0x0;
	lr =	simm.s32 $0x1  }
0x2: {  	[smem:$0x3F9F] =	sst lr;
	_ =	strace $0xD0000000  }
0x3: {  	_ = 	snop  }
0x4: {  	_ = 	snop  }
0x5: {  	_ = 	snop  }
0x6: {  	_ = 	snop  }
0x7: {  	_ = 	snop  }
__scs_overlays_trampoline_lowered:
0x8: {  	[smem:$0x3FAE] =	sst s0  }
0x9: {  	[smem:$0x3FAF] =	sst s1  }
0xa: {  	[smem:$0x3FB0] =	sst s2  }
0xb: {  	[smem:$0x3FB1] =	sst s3  }
0xc: {  	[smem:$0x3FB2] =	sst s4  }
0xd: {  	[smem:$0x3FB3] =	sst s5  }
0xe: {  	[smem:$0x3FB4] =	sst s6  }
0xf: {  	[smem:$0x3FB5] =	sst s7  }
0x10: {  	[smem:$0x3FB6] =	sst s8  }
0x11: {  	[smem:$0x3FB7] =	sst s9;
	s0 =	simm.s32 @!p0 $0x0  }
0x12: {  	s1 =	sld [smem:$0x3F9D];
	s0 =	simm.s32 @p0 $0x1  }
0x13: {  	[smem:$0x3FB8] =	sst s0;
	s0 =	simm.s32 @!p1 $0x0  }
0x14: {  	s2 =	sld [smem:$0x3F9C];
	s0 =	simm.s32 @p1 $0x1  }
0x15: {  	[smem:$0x3FB9] =	sst s0;
	s0 =	simm.s32 @!p2 $0x0  }
0x16: {  	s3 =	sld [smem:$0x3FDB];
	s0 =	simm.s32 @p2 $0x1  }
0x17: {  	s4 =	simm.s32 $0x1BF5;
	[smem:$0x3FBB] =	sst s0  }
0x18: {  	s0 =	sld [smem:$0x3F9E];
	_ =	swait.ge [sflag:s4], $0x0  }
0x19: {  	s7 =	sld [smem:$0x3F9F]  }
0x1a: {  	s8 =	sadd.s32 $0xFFFFE003, lr  }
0x1b: {  	s9 =	sadd.s32 $0xFFFFFEF7, lr;
	s5 =	simm.s32 $0xFFFFFFFF;
	p2 =	slt.u32 s8, $0xFFFFF086  }
0x1c: {  	p1 =	slt.u32 s9, $0xF7A;
	s5 =	simm.s32 @!p2 $0x0  }
0x1d: {  	s5 =	simm.s32 @p1 $0x1;
	p0 =	seq.s32 s7, s2  }
0x1e: {  	s7 =	smul.u32 @!p0 $0xF7A, s2;
	p2 =	seq.s32 @!p0 s5, $0x0  }
0x1f: {  	s9 =	smul.u32 $0xF7A, s1;
	s8 =	simm.s32 @!p0 $0x1BF5;
	p2 =	por !p2, p0  }
0x20: {  	[sflag:s8] =	ssyncset.s32 @!p0 $0xFFFFF086;
	s6 =	sadd.s32 @!p0 s3, s7;
	s7 =	simm.s32 @!p0 $0x108  }
0x21: {  	s3 =	sadd.s32 s3, s9;
	s6 =	sadd.s32 @!p0 $0x88, s6;
	s7 =	simm.s32 @p2 $0x1082  }
0x22: {  	[simem:s7], [sflag:s8] =	dma.local @!p0 [hbm:s6], $0xF7A  }
0x23: {  	s9 =	sor.u32 $0xD0000000, s2;
	s6 =	simm.s32 $0x108;
	_ =	swait.ge @!p0 [sflag:s8], $0x0  }
0x24: {  	s3 =	sadd.s32 $0x88, s3;
	s6 =	simm.s32 @!p1 $0x1082;
	[sflag:s4] =	ssyncset.s32 $0xFFFFF086  }
0x25: {  	[simem:s6], [sflag:s4] =	dma.local [hbm:s3], $0xF7A  }
0x26: {  	[smem:$0x3F9F] =	sst s1;
	(tag) =	ssettag s2;
	_ =	strace s9  }
0x27: {  	s1 =	sld [smem:$0x3FAF]  }
0x28: {  	s2 =	sld [smem:$0x3FB0]  }
0x29: {  	s4 =	sld [smem:$0x3FB2]  }
0x2a: {  	p0 =	seq.s32 s5, $0x0;
	s5 =	sld [smem:$0x3FB3]  }
0x2b: {  	s6 =	sld [smem:$0x3FB4]  }
0x2c: {  	s7 =	sld [smem:$0x3FB5]  }
0x2d: {  	s3 =	simm.s32 $0x108;
	s8 =	sld [smem:$0x3FB6]  }
0x2e: {  	s3 =	simm.s32 @!p0 $0x1082;
	s9 =	sld [smem:$0x3FB7]  }
0x2f: {  	lr =	sadd.s32 s0, s3;
	s0 =	sld [smem:$0x3FAE]  }
0x30: {  	s3 =	sld [smem:$0x3FB1]  }
0x31: {  	[smem:$0x3FBA] =	sst s10  }
0x32: {  	s10 =	sld [smem:$0x3FB8];
	_ =	sdelay $0x3  }
0x33: {  	p0 =	seq.s32 s10, $0x1;
	s10 =	sld [smem:$0x3FBA];
	_ =	sdelay $0x3  }
0x34: {  	[smem:$0x3FBA] =	sst s10  }
0x35: {  	s10 =	sld [smem:$0x3FB9];
	_ =	sdelay $0x3  }
0x36: {  	p1 =	seq.s32 s10, $0x1;
	s10 =	sld [smem:$0x3FBA];
	_ =	sdelay $0x3  }
0x37: {  	[smem:$0x3FBA] =	sst s10  }
0x38: {  	s10 =	sld [smem:$0x3FBB]  }
0x39: {  	_ = 	snop;
	(pc) =	sbr.ind lr, $3  }
0x3a: {  	_ = 	snop  }
0x3b: {  	_ = 	snop  }
0x3c: {  	p2 =	seq.s32 s10, $0x1;
	s10 =	sld [smem:$0x3FBA]  }
0x3d: {  	_ =	shalt  }
0x3e: {  	_ =	shalt  }
0x3f: {  	_ =	shalt  }
0x40: {  	_ =	shalt  }
0x41: {  	_ =	shalt  }
0x42: {  	_ =	shalt  }
0x43: {  	_ =	shalt  }
0x44: {  	_ =	shalt  }
0x45: {  	_ =	shalt  }
0x46: {  	_ =	shalt  }
0x47: {  	_ =	shalt  }
0x48: {  	_ =	shalt  }
0x49: {  	_ =	shalt  }
0x4a: {  	_ =	shalt  }
0x4b: {  	_ =	shalt  }
0x4c: {  	_ =	shalt  }
0x4d: {  	_ =	shalt  }
0x4e: {  	_ =	shalt  }
0x4f: {  	_ =	shalt  }
0x50: {  	_ =	shalt  }
0x51: {  	_ =	shalt  }
0x52: {  	_ =	shalt  }
0x53: {  	_ =	shalt  }
0x54: {  	_ =	shalt  }
0x55: {  	_ =	shalt  }
0x56: {  	_ =	shalt  }
0x57: {  	_ =	shalt  }
0x58: {  	_ =	shalt  }
0x59: {  	_ =	shalt  }
0x5a: {  	_ =	shalt  }
0x5b: {  	_ =	shalt  }
0x5c: {  	_ =	shalt  }
0x5d: {  	_ =	shalt  }
0x5e: {  	_ =	shalt  }
0x5f: {  	_ =	shalt  }
0x60: {  	_ =	shalt  }
0x61: {  	_ =	shalt  }
0x62: {  	_ =	shalt  }
0x63: {  	_ =	shalt  }
0x64: {  	_ =	shalt  }
0x65: {  	_ =	shalt  }
0x66: {  	_ =	shalt  }
0x67: {  	_ =	shalt  }
0x68: {  	_ =	shalt  }
0x69: {  	_ =	shalt  }
0x6a: {  	_ =	shalt  }
0x6b: {  	_ =	shalt  }
0x6c: {  	_ =	shalt  }
0x6d: {  	_ =	shalt  }
0x6e: {  	_ =	shalt  }
0x6f: {  	_ =	shalt  }
0x70: {  	_ =	shalt  }
0x71: {  	_ =	shalt  }
0x72: {  	_ =	shalt  }
0x73: {  	_ =	shalt  }
0x74: {  	_ =	shalt  }
0x75: {  	_ =	shalt  }
0x76: {  	_ =	shalt  }
0x77: {  	_ =	shalt  }
0x78: {  	_ =	shalt  }
0x79: {  	_ =	shalt  }
0x7a: {  	_ =	shalt  }
0x7b: {  	_ =	shalt  }
0x7c: {  	_ =	shalt  }
0x7d: {  	_ =	shalt  }
0x7e: {  	_ =	shalt  }
0x7f: {  	_ =	shalt  }
0x80: {  	_ =	shalt  }
0x81: {  	_ =	shalt  }
0x82: {  	_ =	shalt  }
0x83: {  	_ =	shalt  }
0x84: {  	_ =	shalt  }
0x85: {  	_ =	shalt  }
0x86: {  	_ =	shalt  }
0x87: {  	_ =	shalt  }
.Lfunc_end0:
.L_simem_size_0:
called_computation.2_lowered:
.L_overlay_start_0:
0x88: {  	s2 =	sld [smem:$0x3FD9]  }
0x89: {  	s3 =	sld [smem:$0x3FFE];
	_ =	sdelay $0x1  }
0x8a: {  	s1 =	srdreg.scid  }
0x8b: {  	s0 =	sand.u32 $0x1, s1  }
0x8c: {  	s16 =	sshll.u32 s0, $0xA;
	s2 =	sadd.s32 s3, s2  }
0x8d: {  	s2 =	sadd.s32 s2, s16  }
0x8e: {  	[smem:$0x3FC6] =	sst s2  }
0x8f: {  	_ = 	snop  }
0x90: {  	(tm) =	ssettm $0x1  }
0x91: {  	s17 =	sld [smem:$0x3FFB];
	_ =	sdelay $0x3  }
0x92: {  	_ =	strace s17  }
0x93: {  	s2 =	sld [smem:$0x3FFC];
	_ =	sdelay $0x3  }
0x94: {  	_ =	strace s2  }
0x95: {  	s2 =	sld [smem:$0x3FFD];
	_ =	sdelay $0x3  }
0x96: {  	_ =	strace s2  }
0x97: {  	_ =	strace $0x8FFFFFFF  }
0x98: {  	s18 =	sld [smem:$0x3FDB];
	_ =	sdelay $0x1  }
0x99: {  	s19 =	simm.s32 $_scs_section_size  }
0x9a: {  	s4 =	simm.s32 $_size__tile_overlayer_lowered;
	s5 =	simm.s32 $_tile_overlayer_lowered  }
0x9b: {  	s22 =	simm.s32 $0x1BFF;
	s21 =	sshll.u32 s5, $0x1;
	s2 =	sadd.s32 s19, s18  }
0x9c: {  	s6 =	simm.s32 $0x0;
	s20 =	sshll.u32 s4, $0x1;
	s4 =	sadd.s32 s21, s2  }
0x9d: {  	[timem:s6], [sflag:s22] =	dma.local [hbm:s4], s20  }
0x9e: {  	_ =	swait.ge [sflag:s22], s20  }
0x9f: {  	s3 =	ssub.s32 $0x0, s20;
	[sflag:s22] =	ssyncset.done $0x0  }
0xa0: {  	[sflag:s22] =	ssyncadd.s32 s3;
	_ =	sdelay $0x1  }
0xa1: {  	s23 =	simm.s32 $0x1B8B  }
0xa2: {  	_ =	swait.ge [sflag:s23], $0x1  }
0xa3: {  	[sflag:s23] =	ssyncset.done $0x0  }
0xa4: {  	s25 =	simm.s32 $0x1B8E;
	s24 =	sld [smem:$0x3FFE];
	[sflag:s23] =	ssyncadd.s32 $0xFFFFFFFF  }
0xa5: {  	s26 =	simm.s32 $execute0_lowered;
	[smem:$0x3FD2] =	sst s25  }
0xa6: {  	s4 =	sshll.u32 s26, $0x1;
	_ =	strace $0x80000046;
	[dreg:$0x1] =	wrdreg $0xFFFFFFFF  }
0xa7: {  	s28 =	simm.s32 $_size_execute0_lowered;
	s2 =	sadd.s32 s2, s4;
	[dreg:$0x0] =	wrdreg $0x0  }
0xa8: {  	s4 =	sshll.u32 s28, $0x1;
	[dreg:$0x2] =	wrdreg s2  }
0xa9: {  	[dreg:$0x3] =	wrdreg s4  }
0xaa: {  	[dreg:$0x4] =	wrdreg $0xC0  }
0xab: {  	_ =	task [dreg:s6], $0x5FFFF  }
0xac: {  	[dreg:$0x1] =	wrdreg $0xFFFFFFFF  }
0xad: {  	[dreg:$0x0] =	wrdreg $0x60  }
0xae: {  	[dreg:$0x2] =	wrdreg s24  }
0xaf: {  	[dreg:$0x3] =	wrdreg $0xB  }
0xb0: {  	_ =	task.clear_ibuf [dreg:s6], $0x4FFFF;
	_ =	strace $0x90000046  }
0xb1: {  	s29 =	simm.s32 $0xB;
	_ =	strace $0x80000048  }
0xb2: {  	_ =	swait.ge [sflag:s29], $0x1  }
0xb3: {  	[sflag:s29] =	ssyncadd.s32 $0xFFFFFFFF  }
0xb4: {  	_ =	strace $0x90000048  }
0xb5: {  	_ =	sfence  }
0xb6: {  	s30 =	sld [smem:$0x0];
	_ =	sdelay $0x2  }
0xb7: {  	s31 =	sshll.u32 s1, $0xD;
	s1 =	sshrl.u32 s1, $0x2  }
0xb8: {  	s3 =	sand.u32 $0x4000, s31;
	s1 =	sadd.s32 s1, s30  }
0xb9: {  	s0 =	sor.u32 s3, s0;
	s1 =	sshll.u32 s1, $0x11  }
0xba: {  	s0 =	sor.u32 s1, s0  }
0xbb: {  	s0 =	sadd.s32 $0x8F2B, s0  }
0xbc: {  	[sflag:s0] =	ssyncadd.remote.s32 $0x1  }
0xbd: {  	_ =	sfence.sel $0xFFFF  }
0xbe: {  	[dreg:$0x0] =	wrdreg $0xFFFFFFFF;
	(pc) =	sbr.abs _section_cstart, $3  }
0xbf: {  	[dreg:$0x1] =	wrdreg $0xFFFFFFFF  }
0xc0: {  	_ =	task.clear_ibuf [dreg:s6], $0x2FFFF;
	_ =	strace $0x9FFFFFFF  }
0xc1: {  	(tm) =	ssettm $0x7FFFFFFF  }
tec
execute0_lowered:
.L_overlay_start_1:
0x0: {  	(tag) =	ssettag $0x1  }
0x1: {  	s1 =	srdreg.scid  }
0x2: {  	s0 =	stileid.u32;
	s6 =	sand.u32 $0x1, s1  }
0x3: {  	s8 =	rddreg [dreg:$0x0];
	s30 =	sshll.u32 s0, $0xA;
	s2 =	sshll.u32 s6, $0x9  }
0x4: {  	s4 =	simm.s32 $0x3;
	s1 =	rddreg [dreg:$0x1];
	s7 =	sor.u32 s2, s30  }
0x5: {  	s5 =	sadd.s32 $0x1600, s8;
	s2 =	simm.s32 $0x0;
	s3 =	sshrl.u32 s7, $0x3  }
0x6: {  	s10 =	ssub.s32 $0x2, s6;
	[smem:$0x7FF] =	sst s2;
	s3 =	sadd.s32 s3, s8  }
0x7: {  	s6 =	simm.s32 $0x200;
	_ =	strace $0x80000047;
	s3 =	sadd.s32 $0xE00, s3  }
0x8: {  	[tilespmem:s2], [sflag:$0x3] =	stream.linear.gather [hbm4b:s3+s2], $0x200, $0x38;
	[tilespmem:$0x10200] =	vst v63  }
0x9: {  	s31 =	sshrl.u32 s10, $0x1;
	s9 =	sshll.u32 s7, $0x4;
	_ =	swait.ge [sflag:s4], $0x200  }
0xa: {  	s8 =	sadd.s32 s9, s8;
	s9 =	ssub.s32 s10, s31;
	[sflag:s4] =	ssyncset.done $0x0  }
0xb: {  	s7 =	simm.s32 $0x1;
	s10 =	smax.u32 s9, $0x1;
	[sflag:s4] =	ssyncadd.s32 $0xFFFFFE00  }
0xc: {  	[tilespmem:s6], [sflag:$0x1] =	stream.indirect.gather [hbm4b:s5+s6], $0x80, s2, s6, $0xb8;
	[tilespmem:$0x10200] =	vst v63  }
0xd: {  	p0 =	sne.s32 s10, $0x1;
	_ =	swait.ge [sflag:s7], $0x10000  }
.Ltmp0:
0xe: {  	[sflag:s7] =	ssyncset.done $0x0;
	(pc) =	sbr.rel @!p0 .LBB2_2-.Ltmp0, $4  }
0xf: {  	s8 =	sadd.s32 $0x5600, s8;
	s9 =	simm.s32 $0x2;
	[sflag:s7] =	ssyncadd.s32 $0xFFFF0000  }
0x10: {  	[hbm4b:s8+s2] =	stream.linear.scatter [tilespmem:s6], [sflag:$0x2], $0x10000, $0x38;
	[tilespmem:$0x10200] =	vst v63  }
0x11: {  	_ =	swait.ge [sflag:s9], $0x10000  }
0x12: {  	s10 =	sadd.s32 $0xFFFFFFFF, s10;
	[sflag:s9] =	ssyncset.done $0x0  }
.LBB2_1:
0x13: {  	p0 =	sne.s32 s10, $0x1;
	s10 =	sadd.s32 $0xFFFFFFFF, s10;
	[sflag:s9] =	ssyncadd.s32 $0xFFFF0000  }
0x14: {  	[tilespmem:s2], [sflag:$0x3] =	stream.linear.gather [hbm4b:s3+s2], $0x200, $0x38;
	[tilespmem:$0x10200] =	vst v63  }
0x15: {  	_ =	swait.ge [sflag:s4], $0x200  }
0x16: {  	[sflag:s4] =	ssyncset.done $0x0  }
0x17: {  	[sflag:s4] =	ssyncadd.s32 $0xFFFFFE00  }
0x18: {  	[tilespmem:s6], [sflag:$0x1] =	stream.indirect.gather [hbm4b:s5+s6], $0x80, s2, s6, $0xb8;
	[tilespmem:$0x10200] =	vst v63  }
0x19: {  	_ =	swait.ge [sflag:s7], $0x10000  }
.Ltmp1:
0x1a: {  	[sflag:s7] =	ssyncset.done $0x0;
	(pc) =	sbr.rel @p0 .LBB2_1-.Ltmp1, $4  }
0x1b: {  	[sflag:s7] =	ssyncadd.s32 $0xFFFF0000  }
0x1c: {  	[hbm4b:s8+s2] =	stream.linear.scatter [tilespmem:s6], [sflag:$0x2], $0x10000, $0x38;
	[tilespmem:$0x10200] =	vst v63  }
0x1d: {  	_ =	swait.ge [sflag:s9], $0x10000  }
0x1e: {  	[sflag:s9] =	ssyncset.done $0x0  }
.LBB2_2:
0x1f: {  	[sflag:s9] =	ssyncadd.s32 $0xFFFF0000  }
0x20: {  	_ =	sfence.sel $0x180000  }
0x21: {  	[bflag:$0x0] =	sbarrier.arrive $0xFFFF  }
0x22: {  	p0 =	sne.s32 s0, $0x0;
	_ =	strace $0x90000047  }
0x23: {  	s0 =	sadd.s32 @!p0 $0x100000, s1;
	[bflag:$0x2] =	sbarrier.arrive $0xFFFF  }
0x24: {  	[sflag:s0] =	ssyncadd.tile.s32 @!p0 $0x1;
	_ =	shalt  }
.Lfunc_end2:
_tile_overlayer_lowered:
.L_overlay_start_2:
0x25: {  	(tag) =	ssettag $0x2  }
0x26: {  	s0 =	rddreg [dreg:$0x0];
	s2 =	stileid.u32  }
0x27: {  	s1 =	rddreg [dreg:$0x1];
	p0 =	sne.s32 s2, $0x0  }
0x28: {  	s3 =	rddreg [dreg:$0x2];
	[bflag:$0x3] =	sbarrier.arrive $0xFFFF;
	s2 =	simm.s32 @!p0 $0x1C03  }
0x29: {  	[timem:s3], [sflag:s2] =	dma.local @!p0 [hbm:s0], s1  }
0x2a: {  	s0 =	simm.s32 @!p0 $0x3  }
0x2b: {  	_ =	swait.ge @!p0 [sflag:s0], s1  }
0x2c: {  	s1 =	ssub.s32 @!p0 $0x0, s1;
	[sflag:s0] =	ssyncset.done @!p0 $0x0  }
0x2d: {  	[sflag:s0] =	ssyncadd.s32 @!p0 s1  }
0x2e: {  	[bflag:$0x3] =	sbarrier.arrive $0xFFFF  }
0x2f: {  	_ =	shalt  }

// kernel: kernel.23.cloned.1.call-start
scs
__scs_entry_jumppad:
0x0: {  	(pc) =	sbr.rel $0x88, $3  }
0x1: {  	(tag) =	ssettag $0x0;
	lr =	simm.s32 $0x1  }
0x2: {  	[smem:$0x3F9F] =	sst lr;
	_ =	strace $0xD0000000  }
0x3: {  	_ = 	snop  }
0x4: {  	_ = 	snop  }
0x5: {  	_ = 	snop  }
0x6: {  	_ = 	snop  }
0x7: {  	_ = 	snop  }
__scs_overlays_trampoline_lowered:
0x8: {  	[smem:$0x3FAE] =	sst s0  }
0x9: {  	[smem:$0x3FAF] =	sst s1  }
0xa: {  	[smem:$0x3FB0] =	sst s2  }
0xb: {  	[smem:$0x3FB1] =	sst s3  }
0xc: {  	[smem:$0x3FB2] =	sst s4  }
0xd: {  	[smem:$0x3FB3] =	sst s5  }
0xe: {  	[smem:$0x3FB4] =	sst s6  }
0xf: {  	[smem:$0x3FB5] =	sst s7  }
0x10: {  	[smem:$0x3FB6] =	sst s8  }
0x11: {  	[smem:$0x3FB7] =	sst s9;
	s0 =	simm.s32 @!p0 $0x0  }
0x12: {  	s1 =	sld [smem:$0x3F9D];
	s0 =	simm.s32 @p0 $0x1  }
0x13: {  	[smem:$0x3FB8] =	sst s0;
	s0 =	simm.s32 @!p1 $0x0  }
0x14: {  	s2 =	sld [smem:$0x3F9C];
	s0 =	simm.s32 @p1 $0x1  }
0x15: {  	[smem:$0x3FB9] =	sst s0;
	s0 =	simm.s32 @!p2 $0x0  }
0x16: {  	s3 =	sld [smem:$0x3FDB];
	s0 =	simm.s32 @p2 $0x1  }
0x17: {  	s4 =	simm.s32 $0x1BF5;
	[smem:$0x3FBB] =	sst s0  }
0x18: {  	s0 =	sld [smem:$0x3F9E];
	_ =	swait.ge [sflag:s4], $0x0  }
0x19: {  	s7 =	sld [smem:$0x3F9F]  }
0x1a: {  	s8 =	sadd.s32 $0xFFFFE003, lr  }
0x1b: {  	s9 =	sadd.s32 $0xFFFFFEF7, lr;
	s5 =	simm.s32 $0xFFFFFFFF;
	p2 =	slt.u32 s8, $0xFFFFF086  }
0x1c: {  	p1 =	slt.u32 s9, $0xF7A;
	s5 =	simm.s32 @!p2 $0x0  }
0x1d: {  	s5 =	simm.s32 @p1 $0x1;
	p0 =	seq.s32 s7, s2  }
0x1e: {  	s7 =	smul.u32 @!p0 $0xF7A, s2;
	p2 =	seq.s32 @!p0 s5, $0x0  }
0x1f: {  	s9 =	smul.u32 $0xF7A, s1;
	s8 =	simm.s32 @!p0 $0x1BF5;
	p2 =	por !p2, p0  }
0x20: {  	[sflag:s8] =	ssyncset.s32 @!p0 $0xFFFFF086;
	s6 =	sadd.s32 @!p0 s3, s7;
	s7 =	simm.s32 @!p0 $0x108  }
0x21: {  	s3 =	sadd.s32 s3, s9;
	s6 =	sadd.s32 @!p0 $0x88, s6;
	s7 =	simm.s32 @p2 $0x1082  }
0x22: {  	[simem:s7], [sflag:s8] =	dma.local @!p0 [hbm:s6], $0xF7A  }
0x23: {  	s9 =	sor.u32 $0xD0000000, s2;
	s6 =	simm.s32 $0x108;
	_ =	swait.ge @!p0 [sflag:s8], $0x0  }
0x24: {  	s3 =	sadd.s32 $0x88, s3;
	s6 =	simm.s32 @!p1 $0x1082;
	[sflag:s4] =	ssyncset.s32 $0xFFFFF086  }
0x25: {  	[simem:s6], [sflag:s4] =	dma.local [hbm:s3], $0xF7A  }
0x26: {  	[smem:$0x3F9F] =	sst s1;
	(tag) =	ssettag s2;
	_ =	strace s9  }
0x27: {  	s1 =	sld [smem:$0x3FAF]  }
0x28: {  	s2 =	sld [smem:$0x3FB0]  }
0x29: {  	s4 =	sld [smem:$0x3FB2]  }
0x2a: {  	p0 =	seq.s32 s5, $0x0;
	s5 =	sld [smem:$0x3FB3]  }
0x2b: {  	s6 =	sld [smem:$0x3FB4]  }
0x2c: {  	s7 =	sld [smem:$0x3FB5]  }
0x2d: {  	s3 =	simm.s32 $0x108;
	s8 =	sld [smem:$0x3FB6]  }
0x2e: {  	s3 =	simm.s32 @!p0 $0x1082;
	s9 =	sld [smem:$0x3FB7]  }
0x2f: {  	lr =	sadd.s32 s0, s3;
	s0 =	sld [smem:$0x3FAE]  }
0x30: {  	s3 =	sld [smem:$0x3FB1]  }
0x31: {  	[smem:$0x3FBA] =	sst s10  }
0x32: {  	s10 =	sld [smem:$0x3FB8];
	_ =	sdelay $0x3  }
0x33: {  	p0 =	seq.s32 s10, $0x1;
	s10 =	sld [smem:$0x3FBA];
	_ =	sdelay $0x3  }
0x34: {  	[smem:$0x3FBA] =	sst s10  }
0x35: {  	s10 =	sld [smem:$0x3FB9];
	_ =	sdelay $0x3  }
0x36: {  	p1 =	seq.s32 s10, $0x1;
	s10 =	sld [smem:$0x3FBA];
	_ =	sdelay $0x3  }
0x37: {  	[smem:$0x3FBA] =	sst s10  }
0x38: {  	s10 =	sld [smem:$0x3FBB]  }
0x39: {  	_ = 	snop;
	(pc) =	sbr.ind lr, $3  }
0x3a: {  	_ = 	snop  }
0x3b: {  	_ = 	snop  }
0x3c: {  	p2 =	seq.s32 s10, $0x1;
	s10 =	sld [smem:$0x3FBA]  }
0x3d: {  	_ =	shalt  }
0x3e: {  	_ =	shalt  }
0x3f: {  	_ =	shalt  }
0x40: {  	_ =	shalt  }
0x41: {  	_ =	shalt  }
0x42: {  	_ =	shalt  }
0x43: {  	_ =	shalt  }
0x44: {  	_ =	shalt  }
0x45: {  	_ =	shalt  }
0x46: {  	_ =	shalt  }
0x47: {  	_ =	shalt  }
0x48: {  	_ =	shalt  }
0x49: {  	_ =	shalt  }
0x4a: {  	_ =	shalt  }
0x4b: {  	_ =	shalt  }
0x4c: {  	_ =	shalt  }
0x4d: {  	_ =	shalt  }
0x4e: {  	_ =	shalt  }
0x4f: {  	_ =	shalt  }
0x50: {  	_ =	shalt  }
0x51: {  	_ =	shalt  }
0x52: {  	_ =	shalt  }
0x53: {  	_ =	shalt  }
0x54: {  	_ =	shalt  }
0x55: {  	_ =	shalt  }
0x56: {  	_ =	shalt  }
0x57: {  	_ =	shalt  }
0x58: {  	_ =	shalt  }
0x59: {  	_ =	shalt  }
0x5a: {  	_ =	shalt  }
0x5b: {  	_ =	shalt  }
0x5c: {  	_ =	shalt  }
0x5d: {  	_ =	shalt  }
0x5e: {  	_ =	shalt  }
0x5f: {  	_ =	shalt  }
0x60: {  	_ =	shalt  }
0x61: {  	_ =	shalt  }
0x62: {  	_ =	shalt  }
0x63: {  	_ =	shalt  }
0x64: {  	_ =	shalt  }
0x65: {  	_ =	shalt  }
0x66: {  	_ =	shalt  }
0x67: {  	_ =	shalt  }
0x68: {  	_ =	shalt  }
0x69: {  	_ =	shalt  }
0x6a: {  	_ =	shalt  }
0x6b: {  	_ =	shalt  }
0x6c: {  	_ =	shalt  }
0x6d: {  	_ =	shalt  }
0x6e: {  	_ =	shalt  }
0x6f: {  	_ =	shalt  }
0x70: {  	_ =	shalt  }
0x71: {  	_ =	shalt  }
0x72: {  	_ =	shalt  }
0x73: {  	_ =	shalt  }
0x74: {  	_ =	shalt  }
0x75: {  	_ =	shalt  }
0x76: {  	_ =	shalt  }
0x77: {  	_ =	shalt  }
0x78: {  	_ =	shalt  }
0x79: {  	_ =	shalt  }
0x7a: {  	_ =	shalt  }
0x7b: {  	_ =	shalt  }
0x7c: {  	_ =	shalt  }
0x7d: {  	_ =	shalt  }
0x7e: {  	_ =	shalt  }
0x7f: {  	_ =	shalt  }
0x80: {  	_ =	shalt  }
0x81: {  	_ =	shalt  }
0x82: {  	_ =	shalt  }
0x83: {  	_ =	shalt  }
0x84: {  	_ =	shalt  }
0x85: {  	_ =	shalt  }
0x86: {  	_ =	shalt  }
0x87: {  	_ =	shalt  }
.Lfunc_end0:
.L_simem_size_0:
called_computation.3_lowered:
.L_overlay_start_0:
0x88: {  	s2 =	sld [smem:$0x3FD9]  }
0x89: {  	s3 =	sld [smem:$0x3FFE];
	_ =	sdelay $0x1  }
0x8a: {  	s1 =	srdreg.scid  }
0x8b: {  	s0 =	sand.u32 $0x1, s1  }
0x8c: {  	s17 =	sshll.u32 s0, $0xA;
	s2 =	sadd.s32 s3, s2  }
0x8d: {  	s2 =	sadd.s32 s2, s17  }
0x8e: {  	[smem:$0x3FC6] =	sst s2  }
0x8f: {  	_ = 	snop  }
0x90: {  	(tm) =	ssettm $0x1  }
0x91: {  	s18 =	sld [smem:$0x3FFB];
	_ =	sdelay $0x3  }
0x92: {  	_ =	strace s18  }
0x93: {  	s2 =	sld [smem:$0x3FFC];
	_ =	sdelay $0x3  }
0x94: {  	_ =	strace s2  }
0x95: {  	s2 =	sld [smem:$0x3FFD];
	_ =	sdelay $0x3  }
0x96: {  	_ =	strace s2  }
0x97: {  	_ =	strace $0x8FFFFFFF  }
0x98: {  	s19 =	sld [smem:$0x3FDB];
	_ =	sdelay $0x1  }
0x99: {  	s20 =	simm.s32 $_scs_section_size  }
0x9a: {  	s4 =	simm.s32 $_size__tile_overlayer_lowered;
	s5 =	simm.s32 $_tile_overlayer_lowered  }
0x9b: {  	s6 =	simm.s32 $0x1BFF;
	s21 =	sshll.u32 s5, $0x1;
	s3 =	sadd.s32 s20, s19  }
0x9c: {  	s22 =	simm.s32 $0x0;
	s4 =	sshll.u32 s4, $0x1;
	s5 =	sadd.s32 s21, s3  }
0x9d: {  	[timem:s22], [sflag:s6] =	dma.local [hbm:s5], s4  }
0x9e: {  	_ =	swait.ge [sflag:s6], s4  }
0x9f: {  	s4 =	ssub.s32 $0x0, s4;
	[sflag:s6] =	ssyncset.done $0x0  }
0xa0: {  	[sflag:s6] =	ssyncadd.s32 s4;
	_ =	sdelay $0x1  }
0xa1: {  	s23 =	simm.s32 $0x1B8B  }
0xa2: {  	_ =	swait.ge [sflag:s23], $0x1  }
0xa3: {  	[sflag:s23] =	ssyncset.done $0x0  }
0xa4: {  	[sflag:s23] =	ssyncadd.s32 $0xFFFFFFFF  }
0xa5: {  	s4 =	sld [smem:$0x0]  }
0xa6: {  	s5 =	sand.u32 $0xFFFFFFFE, s1  }
0xa7: {  	p0 =	sne.s32 s1, s5  }
0xa8: {  	s5 =	sshll.u32 @p0 s5, $0xE  }
0xa9: {  	s5 =	sadd.s32 @p0 $0x11B8D, s5;
	s6 =	sshll.u32 @p0 s4, $0x11  }
0xaa: {  	s5 =	sor.u32 @p0 s6, s5  }
0xab: {  	[sflag:s5] =	ssyncadd.remote.s32 @p0 $0x1;
	_ =	sdelay $0x1  }
0xac: {  	s5 =	simm.s32 @p0 $0x1B8D  }
0xad: {  	_ =	swait.eq @p0 [sflag:s5], $0x1  }
0xae: {  	[sflag:s5] =	ssyncadd.s32 @p0 $0xFFFFFFFF  }
0xaf: {  	s6 =	sshll.u32 @!p0 s1, $0xE  }
0xb0: {  	s6 =	sor.u32 @!p0 $0x4000, s6;
	s5 =	simm.s32 @!p0 $0x1B8D  }
0xb1: {  	s4 =	sshll.u32 @!p0 s4, $0x11;
	s6 =	sadd.s32 @!p0 $0x11B8D, s6;
	_ =	swait.eq @!p0 [sflag:s5], $0x1  }
0xb2: {  	s4 =	sor.u32 @!p0 s4, s6;
	[sflag:s5] =	ssyncadd.s32 @!p0 $0xFFFFFFFF  }
0xb3: {  	s25 =	simm.s32 $0x1B8E;
	s24 =	sld [smem:$0x3FFE];
	[sflag:s4] =	ssyncadd.remote.s32 @!p0 $0x1  }
0xb4: {  	s26 =	simm.s32 $execute0_lowered;
	[smem:$0x3FD2] =	sst s25  }
0xb5: {  	s5 =	sshll.u32 s26, $0x1;
	_ =	strace $0x8000004C;
	[dreg:$0x1] =	wrdreg $0xFFFFFFFF  }
0xb6: {  	s28 =	simm.s32 $_size_execute0_lowered;
	s3 =	sadd.s32 s3, s5;
	[dreg:$0x0] =	wrdreg $0x0  }
0xb7: {  	s5 =	sshll.u32 s28, $0x1;
	[dreg:$0x2] =	wrdreg s3  }
0xb8: {  	[dreg:$0x3] =	wrdreg s5  }
0xb9: {  	[dreg:$0x4] =	wrdreg $0xC0  }
0xba: {  	_ =	task [dreg:s22], $0x5FFFF  }
0xbb: {  	[dreg:$0x1] =	wrdreg $0xFFFFFFFF  }
0xbc: {  	[dreg:$0x0] =	wrdreg $0x60  }
0xbd: {  	[dreg:$0x2] =	wrdreg s24  }
0xbe: {  	[dreg:$0x3] =	wrdreg $0xC  }
0xbf: {  	_ =	task.clear_ibuf [dreg:s22], $0x4FFFF;
	_ =	strace $0x9000004C  }
0xc0: {  	s29 =	simm.s32 $0xC;
	_ =	strace $0x8000004E  }
0xc1: {  	_ =	swait.ge [sflag:s29], $0x1  }
0xc2: {  	[sflag:s29] =	ssyncadd.s32 $0xFFFFFFFF  }
0xc3: {  	_ =	strace $0x9000004E  }
0xc4: {  	_ =	sfence  }
0xc5: {  	s30 =	sld [smem:$0x0];
	_ =	sdelay $0x2  }
0xc6: {  	s31 =	sshll.u32 s1, $0xD;
	s1 =	sshrl.u32 s1, $0x2  }
0xc7: {  	s4 =	sand.u32 $0x4000, s31;
	s1 =	sadd.s32 s1, s30  }
0xc8: {  	s0 =	sor.u32 s4, s0;
	s1 =	sshll.u32 s1, $0x11  }
0xc9: {  	s0 =	sor.u32 s1, s0  }
0xca: {  	s0 =	sadd.s32 $0x8F2B, s0  }
0xcb: {  	[sflag:s0] =	ssyncadd.remote.s32 $0x1  }
0xcc: {  	_ =	sfence.sel $0xFFFF  }
0xcd: {  	[dreg:$0x0] =	wrdreg $0xFFFFFFFF;
	(pc) =	sbr.abs _section_cstart, $3  }
0xce: {  	[dreg:$0x1] =	wrdreg $0xFFFFFFFF  }
0xcf: {  	_ =	task.clear_ibuf [dreg:s22], $0x2FFFF;
	_ =	strace $0x9FFFFFFF  }
0xd0: {  	(tm) =	ssettm $0x7FFFFFFF  }
0xd1: {  	_ =	shalt  }
tec
execute0_lowered:
.L_overlay_start_1:
0x0: {  	(tag) =	ssettag $0x1  }
0x1: {  	s1 =	srdreg.scid  }
0x2: {  	s0 =	stileid.u32;
	s6 =	sand.u32 $0x1, s1  }
0x3: {  	s8 =	rddreg [dreg:$0x0];
	s30 =	sshll.u32 s0, $0xA;
	s2 =	sshll.u32 s6, $0x9  }
0x4: {  	s4 =	simm.s32 $0x3;
	s1 =	rddreg [dreg:$0x1];
	s7 =	sor.u32 s2, s30  }
0x5: {  	s5 =	sadd.s32 $0x1600, s8;
	s2 =	simm.s32 $0x0;
	s3 =	sshrl.u32 s7, $0x3  }
0x6: {  	s10 =	ssub.s32 $0x2, s6;
	[smem:$0x7FF] =	sst s2;
	s3 =	sadd.s32 s3, s8  }
0x7: {  	s6 =	simm.s32 $0x200;
	_ =	strace $0x8000004D;
	s3 =	sadd.s32 $0x85E00, s3  }
0x8: {  	[tilespmem:s2], [sflag:$0x3] =	stream.linear.gather [hbm4b:s3+s2], $0x200, $0x38;
	[tilespmem:$0x10200] =	vst v63  }
0x9: {  	s31 =	sshrl.u32 s10, $0x1;
	s9 =	sshll.u32 s7, $0x4;
	_ =	swait.ge [sflag:s4], $0x200  }
0xa: {  	s8 =	sadd.s32 s9, s8;
	s9 =	ssub.s32 s10, s31;
	[sflag:s4] =	ssyncset.done $0x0  }
0xb: {  	s7 =	simm.s32 $0x1;
	s10 =	smax.u32 s9, $0x1;
	[sflag:s4] =	ssyncadd.s32 $0xFFFFFE00  }
0xc: {  	[tilespmem:s6], [sflag:$0x1] =	stream.indirect.gather [hbm4b:s5+s6], $0x80, s2, s6, $0xb8;
	[tilespmem:$0x10200] =	vst v63  }
0xd: {  	p0 =	sne.s32 s10, $0x1;
	_ =	swait.ge [sflag:s7], $0x10000  }
.Ltmp0:
0xe: {  	[sflag:s7] =	ssyncset.done $0x0;
	(pc) =	sbr.rel @!p0 .LBB2_2-.Ltmp0, $4  }
0xf: {  	s8 =	sadd.s32 $0x86600, s8;
	s9 =	simm.s32 $0x2;
	[sflag:s7] =	ssyncadd.s32 $0xFFFF0000  }
0x10: {  	[hbm4b:s8+s2] =	stream.linear.scatter [tilespmem:s6], [sflag:$0x2], $0x10000, $0x38;
	[tilespmem:$0x10200] =	vst v63  }
0x11: {  	_ =	swait.ge [sflag:s9], $0x10000  }
0x12: {  	s10 =	sadd.s32 $0xFFFFFFFF, s10;
	[sflag:s9] =	ssyncset.done $0x0  }
.LBB2_1:
0x13: {  	p0 =	sne.s32 s10, $0x1;
	s10 =	sadd.s32 $0xFFFFFFFF, s10;
	[sflag:s9] =	ssyncadd.s32 $0xFFFF0000  }
0x14: {  	[tilespmem:s2], [sflag:$0x3] =	stream.linear.gather [hbm4b:s3+s2], $0x200, $0x38;
	[tilespmem:$0x10200] =	vst v63  }
0x15: {  	_ =	swait.ge [sflag:s4], $0x200  }
0x16: {  	[sflag:s4] =	ssyncset.done $0x0  }
0x17: {  	[sflag:s4] =	ssyncadd.s32 $0xFFFFFE00  }
0x18: {  	[tilespmem:s6], [sflag:$0x1] =	stream.indirect.gather [hbm4b:s5+s6], $0x80, s2, s6, $0xb8;
	[tilespmem:$0x10200] =	vst v63  }
0x19: {  	_ =	swait.ge [sflag:s7], $0x10000  }
.Ltmp1:
0x1a: {  	[sflag:s7] =	ssyncset.done $0x0;
	(pc) =	sbr.rel @p0 .LBB2_1-.Ltmp1, $4  }
0x1b: {  	[sflag:s7] =	ssyncadd.s32 $0xFFFF0000  }
0x1c: {  	[hbm4b:s8+s2] =	stream.linear.scatter [tilespmem:s6], [sflag:$0x2], $0x10000, $0x38;
	[tilespmem:$0x10200] =	vst v63  }
0x1d: {  	_ =	swait.ge [sflag:s9], $0x10000  }
0x1e: {  	[sflag:s9] =	ssyncset.done $0x0  }
.LBB2_2:
0x1f: {  	[sflag:s9] =	ssyncadd.s32 $0xFFFF0000  }
0x20: {  	_ =	sfence.sel $0x180000  }
0x21: {  	[bflag:$0x0] =	sbarrier.arrive $0xFFFF  }
0x22: {  	p0 =	sne.s32 s0, $0x0;
	_ =	strace $0x9000004D  }
0x23: {  	s0 =	sadd.s32 @!p0 $0x100000, s1;
	[bflag:$0x2] =	sbarrier.arrive $0xFFFF  }
0x24: {  	[sflag:s0] =	ssyncadd.tile.s32 @!p0 $0x1;
	_ =	shalt  }
.Lfunc_end2:
_tile_overlayer_lowered:
.L_overlay_start_2:
0x25: {  	(tag) =	ssettag $0x2  }
0x26: {  	s0 =	rddreg [dreg:$0x0];
	s2 =	stileid.u32  }
0x27: {  	s1 =	rddreg [dreg:$0x1];
	p0 =	sne.s32 s2, $0x0  }
0x28: {  	s3 =	rddreg [dreg:$0x2];
	[bflag:$0x3] =	sbarrier.arrive $0xFFFF;
	s2 =	simm.s32 @!p0 $0x1C03  }
0x29: {  	[timem:s3], [sflag:s2] =	dma.local @!p0 [hbm:s0], s1  }
0x2a: {  	s0 =	simm.s32 @!p0 $0x3  }
0x2b: {  	_ =	swait.ge @!p0 [sflag:s0], s1  }
0x2c: {  	s1 =	ssub.s32 @!p0 $0x0, s1;
	[sflag:s0] =	ssyncset.done @!p0 $0x0  }
0x2d: {  	[sflag:s0] =	ssyncadd.s32 @!p0 s1  }
0x2e: {  	[bflag:$0x3] =	sbarrier.arrive $0xFFFF  }
0x2f: {  	_ =	shalt  }

</sc_bundles>
